<compile_context>
chip_gen: v7x
topology: tpu7x:2x2x1
jax: 0.10.2.dev20260603
libtpu: 0.0.44.dev20260713+nightly
codegen_flags: <defaults>
</compile_context>

<pallas_src>
import functools

import jax
import jax.numpy as jnp
from jax import lax
from jax.experimental import pallas as pl
from jax.experimental.pallas import tpu as pltpu
from jax.experimental.pallas import tpu_sc as plsc

NUM_FIELDS = 26
CARD1 = 100001
D = 32
BATCH = 16384
NC, NS, L = 2, 16, 16
NW = NC * NS
QB = 4096
NQ = BATCH // QB

_mesh = plsc.VectorSubcoreMesh(
    core_axis_name="c", subcore_axis_name="s", num_cores=NC, num_subcores=NS
)


@functools.partial(
    pl.kernel,
    out_type=jax.ShapeDtypeStruct((NUM_FIELDS, D, BATCH), jnp.float32),
    mesh=_mesh,
    scratch_types=[
        pltpu.VMEM((CARD1,), jnp.float32),
        pltpu.VMEM((1, BATCH), jnp.int32),
        pltpu.VMEM((2, QB), jnp.float32),
        pltpu.VMEM_SHARED((2, BATCH), jnp.int32),
        pltpu.SemaphoreType.DMA,
        pltpu.SemaphoreType.DMA,
        pltpu.SemaphoreType.DMA,
        pltpu.SemaphoreType.DMA,
        pltpu.SemaphoreType.DMA,
    ],
    compiler_params=pltpu.CompilerParams(needs_layout_passes=False),
)
def _emb_gather(xt_hbm, tt_hbm, out_hbm, row_v, idx_v, buf_v, idx_sh, sem_r,
                sem_i, sem_l, sem_o0, sem_o1):
    s = lax.axis_index("s")
    d = s * NC + lax.axis_index("c")

    @pl.when(s == 0)
    def _():
        pltpu.sync_copy(xt_hbm.at[pl.ds(0, 1), :], idx_sh.at[pl.ds(0, 1), :])
        pltpu.sync_copy(xt_hbm.at[pl.ds(1, 1), :], idx_sh.at[pl.ds(1, 1), :])
    plsc.subcore_barrier()

    pltpu.async_copy(tt_hbm.at[0].at[d], row_v, sem_r)
    pltpu.async_copy(idx_sh.at[pl.ds(0, 1), :], idx_v, sem_i)
    sem_o = (sem_o0, sem_o1)

    def field_body(i, carry):
        f = i
        slot = lax.rem(i, 2)
        pltpu.make_async_copy(
            idx_sh.at[pl.ds(slot, 1), :], idx_v, sem_i
        ).wait()
        plsc.subcore_barrier()

        @pl.when((s == 0) & (i < NUM_FIELDS - 2))
        def _():
            pltpu.async_copy(
                xt_hbm.at[pl.ds(i + 2, 1), :],
                idx_sh.at[pl.ds(slot, 1), :],
                sem_l,
            )

        pltpu.make_async_copy(tt_hbm.at[f].at[d], row_v, sem_r).wait()

        for q in range(NQ):
            oslot = q % 2
            out_desc = pltpu.make_async_copy(
                buf_v.at[pl.ds(oslot, 1)],
                out_hbm.at[f].at[pl.ds(d, 1), pl.ds(q * QB, QB)],
                sem_o[oslot],
            )
            if q >= 2:
                out_desc.wait()
            else:
                @pl.when(i > 0)
                def _():
                    out_desc.wait()

            @plsc.parallel_loop(0, QB // L, unroll=16)
            def gather_body(m):
                idx16 = idx_v[0, pl.ds(q * QB + m * L, L)]
                buf_v[oslot, pl.ds(m * L, L)] = plsc.load_gather(
                    row_v, [idx16]
                )

            pltpu.async_copy(
                buf_v.at[pl.ds(oslot, 1)],
                out_hbm.at[f].at[pl.ds(d, 1), pl.ds(q * QB, QB)],
                sem_o[oslot],
            )

        @pl.when(i < NUM_FIELDS - 1)
        def _():
            pltpu.async_copy(tt_hbm.at[i + 1].at[d], row_v, sem_r)

        @pl.when((s == 0) & (i < NUM_FIELDS - 2))
        def _():
            pltpu.make_async_copy(
                xt_hbm.at[pl.ds(i + 2, 1), :],
                idx_sh.at[pl.ds(slot, 1), :],
                sem_l,
            ).wait()

        plsc.subcore_barrier()

        @pl.when(i < NUM_FIELDS - 1)
        def _():
            pltpu.async_copy(
                idx_sh.at[pl.ds(lax.rem(i + 1, 2), 1), :], idx_v, sem_i
            )

        return carry

    lax.fori_loop(0, NUM_FIELDS, field_body, 0)
    for slot in range(2):
        pltpu.make_async_copy(
            buf_v.at[pl.ds(slot, 1)],
            out_hbm.at[0].at[pl.ds(0, 1), pl.ds(0, QB)],
            sem_o[slot],
        ).wait()


def kernel(x, tables):
    xt = x.T
    tt = jnp.transpose(tables, (0, 2, 1))
    out_t = _emb_gather(xt, tt)
    return jnp.transpose(out_t, (2, 0, 1))

# --- scband reference (transcript-rebuilt; emitter-appended) ---
"""Pipeline reference for scband-categorical-embedding-1486058684704 (READ-ONLY COPY).

The authoritative reference and input builder live on the scoring server;
editing this copy changes nothing except your own understanding.
"""

import jax, jax.numpy as jnp
import numpy as np

NUM_FIELDS = 26
CARD = 100000
D_MODEL = 32
BATCH = 16384

def setup_inputs(seed: int = 0) -> dict:
    key = jax.random.key(seed)
    k_idx, k_tab = jax.random.split(key)
    x = jax.random.randint(k_idx, (BATCH, NUM_FIELDS), 0, CARD, dtype=jnp.int64 if jax.config.jax_enable_x64 else jnp.int32).astype(jnp.int32)
    # one embedding table per field, all with (card + 1) rows as in nn.Embedding(card + 1, d_model)
    tables = jax.random.normal(k_tab, (NUM_FIELDS, CARD + 1, D_MODEL), dtype=jnp.float32)
    return {"x": x, "tables": tables}

def reference(x, tables):
    # faithful translation: per-field embedding lookup, then stack along dim=1
    embedded = [jnp.take(tables[i], x[:, i], axis=0) for i in range(NUM_FIELDS)]
    return jnp.stack(embedded, axis=1)

if __name__ == "__main__":
    import jax
    _d = setup_inputs()
    print(jax.jit(kernel)(*tuple(_d.values())))

</pallas_src>

<mosaic_0001>
#map = affine_map<(d0, d1) -> (0, 0)>
#map1 = affine_map<(d0, d1) -> (0, 0, 0)>
module attributes {stable_mosaic.version = 14 : i64} {
  func.func @_emb_gather(%arg0: i32, %arg1: i32, %arg2: memref<26x16384xi32, #tpu.memory_space<hbm>>, %arg3: memref<26x32x100001xf32, #tpu.memory_space<hbm>>, %arg4: memref<26x32x16384xf32, #tpu.memory_space<hbm>>, %arg5: memref<100001xf32, #tpu.memory_space<vmem>>, %arg6: memref<1x16384xi32, #tpu.memory_space<vmem>>, %arg7: memref<2x4096xf32, #tpu.memory_space<vmem>>, %arg8: memref<2x16384xi32, #tpu.memory_space<vmem_shared>>, %arg9: memref<!tpu.dma_semaphore, #tpu.memory_space<semaphore_mem>>, %arg10: memref<!tpu.dma_semaphore, #tpu.memory_space<semaphore_mem>>, %arg11: memref<!tpu.dma_semaphore, #tpu.memory_space<semaphore_mem>>, %arg12: memref<!tpu.dma_semaphore, #tpu.memory_space<semaphore_mem>>, %arg13: memref<!tpu.dma_semaphore, #tpu.memory_space<semaphore_mem>>) attributes {dimension_semantics = [#tpu.dimension_semantics<core_parallel>, #tpu.dimension_semantics<subcore_parallel>], iteration_bounds = array<i64: 2, 16>, scalar_prefetch = 0 : i64, scratch_operands = 9 : i64, tpu.core_type = #tpu.core_type<sc_vector_subcore>, window_params = [{transform_indices = #map}, {transform_indices = #map1}, {transform_indices = #map1}]} {
    %mul3A = arith.constant 2 : i32
    %mul3A_0 = arith.muli %arg1, %mul3A : i32
    %add3A = arith.addi %mul3A_0, %arg0 : i32
    %eq3A = arith.constant 0 : i32
    %eq3A_1 = arith.cmpi eq, %arg1, %eq3A : i32
    %convert_element_type3A = arith.extui %eq3A_1 : i1 to i32
    %cond3A = arith.constant 0 : i32
    %cond3A_2 = arith.cmpi ne, %convert_element_type3A, %cond3A : i32
    scf.if %cond3A_2 {
      "tpu.region"() ({
        %run_scoped3A = tpu.sem_alloc : memref<!tpu.dma_semaphore, #tpu.memory_space<semaphore_mem>>
        %dma_start3A_69 = arith.constant 0 : i32
        %dma_start3A_70 = arith.constant 0 : i32
        %dma_start3A_71 = tpu.memref_slice %arg8[%dma_start3A_69, %dma_start3A_70] : memref<2x16384xi32, #tpu.memory_space<vmem_shared>> -> memref<1x16384xi32, #tpu.memory_space<vmem_shared>>
        %dma_start3A_72 = arith.constant 0 : i32
        %dma_start3A_73 = arith.constant 0 : i32
        %dma_start3A_74 = tpu.memref_slice %arg2[%dma_start3A_72, %dma_start3A_73] : memref<26x16384xi32, #tpu.memory_space<hbm>> -> memref<1x16384xi32, #tpu.memory_space<hbm>>
        tpu.enqueue_dma source(%dma_start3A_74 : memref<1x16384xi32, #tpu.memory_space<hbm>>) target(%dma_start3A_71 : memref<1x16384xi32, #tpu.memory_space<vmem_shared>>) target_semaphore(%run_scoped3A : memref<!tpu.dma_semaphore, #tpu.memory_space<semaphore_mem>>)
        %dma_wait3A_75 = arith.constant 0 : i32
        %dma_wait3A_76 = arith.constant 0 : i32
        %dma_wait3A_77 = tpu.memref_slice %arg8[%dma_wait3A_75, %dma_wait3A_76] : memref<2x16384xi32, #tpu.memory_space<vmem_shared>> -> memref<1x16384xi32, #tpu.memory_space<vmem_shared>>
        %dma_wait3A_78 = arith.constant 0 : i32
        %dma_wait3A_79 = arith.constant 0 : i32
        %dma_wait3A_80 = tpu.memref_slice %arg2[%dma_wait3A_78, %dma_wait3A_79] : memref<26x16384xi32, #tpu.memory_space<hbm>> -> memref<1x16384xi32, #tpu.memory_space<hbm>>
        tpu.wait_dma2 semaphore(%run_scoped3A : memref<!tpu.dma_semaphore, #tpu.memory_space<semaphore_mem>>) src(%dma_wait3A_80 : memref<1x16384xi32, #tpu.memory_space<hbm>>) dst(%dma_wait3A_77 : memref<1x16384xi32, #tpu.memory_space<vmem_shared>>)
        tpu.yield
      }) : () -> ()
      "tpu.region"() ({
        %run_scoped3A = tpu.sem_alloc : memref<!tpu.dma_semaphore, #tpu.memory_space<semaphore_mem>>
        %dma_start3A_69 = arith.constant 1 : i32
        %dma_start3A_70 = arith.constant 0 : i32
        %dma_start3A_71 = tpu.memref_slice %arg8[%dma_start3A_69, %dma_start3A_70] : memref<2x16384xi32, #tpu.memory_space<vmem_shared>> -> memref<1x16384xi32, #tpu.memory_space<vmem_shared>>
        %dma_start3A_72 = arith.constant 1 : i32
        %dma_start3A_73 = arith.constant 0 : i32
        %dma_start3A_74 = tpu.memref_slice %arg2[%dma_start3A_72, %dma_start3A_73] : memref<26x16384xi32, #tpu.memory_space<hbm>> -> memref<1x16384xi32, #tpu.memory_space<hbm>>
        tpu.enqueue_dma source(%dma_start3A_74 : memref<1x16384xi32, #tpu.memory_space<hbm>>) target(%dma_start3A_71 : memref<1x16384xi32, #tpu.memory_space<vmem_shared>>) target_semaphore(%run_scoped3A : memref<!tpu.dma_semaphore, #tpu.memory_space<semaphore_mem>>)
        %dma_wait3A_75 = arith.constant 1 : i32
        %dma_wait3A_76 = arith.constant 0 : i32
        %dma_wait3A_77 = tpu.memref_slice %arg8[%dma_wait3A_75, %dma_wait3A_76] : memref<2x16384xi32, #tpu.memory_space<vmem_shared>> -> memref<1x16384xi32, #tpu.memory_space<vmem_shared>>
        %dma_wait3A_78 = arith.constant 1 : i32
        %dma_wait3A_79 = arith.constant 0 : i32
        %dma_wait3A_80 = tpu.memref_slice %arg2[%dma_wait3A_78, %dma_wait3A_79] : memref<26x16384xi32, #tpu.memory_space<hbm>> -> memref<1x16384xi32, #tpu.memory_space<hbm>>
        tpu.wait_dma2 semaphore(%run_scoped3A : memref<!tpu.dma_semaphore, #tpu.memory_space<semaphore_mem>>) src(%dma_wait3A_80 : memref<1x16384xi32, #tpu.memory_space<hbm>>) dst(%dma_wait3A_77 : memref<1x16384xi32, #tpu.memory_space<vmem_shared>>)
        tpu.yield
      }) : () -> ()
    } else {
    }
    %barrier3A = arith.constant 0 : index
    tpu.barrier barrier_id(%barrier3A)
    %dma_start3A = arith.constant 0 : i32
    %dma_start3A_3 = arith.constant 0 : i32
    %dma_start3A_4 = arith.constant 0 : i32
    %dma_start3A_5 = tpu.memref_slice %arg3[%dma_start3A, %dma_start3A_3, %dma_start3A_4] : memref<26x32x100001xf32, #tpu.memory_space<hbm>> -> memref<1x32x100001xf32, #tpu.memory_space<hbm>>
    %dma_start3A_6 = tpu.memref_squeeze %dma_start3A_5 : memref<1x32x100001xf32, #tpu.memory_space<hbm>> -> memref<32x100001xf32, #tpu.memory_space<hbm>>
    %dma_start3A_7 = arith.constant 0 : i32
    %dma_start3A_8 = tpu.memref_slice %dma_start3A_6[%add3A, %dma_start3A_7] : memref<32x100001xf32, #tpu.memory_space<hbm>> -> memref<1x100001xf32, #tpu.memory_space<hbm>>
    %dma_start3A_9 = tpu.memref_squeeze %dma_start3A_8 : memref<1x100001xf32, #tpu.memory_space<hbm>> -> memref<100001xf32, #tpu.memory_space<hbm>>
    %dma_start3A_10 = arith.constant 0 : i32
    %dma_start3A_11 = arith.constant 0 : i32
    %dma_start3A_12 = tpu.memref_slice %arg3[%dma_start3A, %dma_start3A_10, %dma_start3A_11] : memref<26x32x100001xf32, #tpu.memory_space<hbm>> -> memref<1x32x100001xf32, #tpu.memory_space<hbm>>
    %dma_start3A_13 = tpu.memref_squeeze %dma_start3A_12 : memref<1x32x100001xf32, #tpu.memory_space<hbm>> -> memref<32x100001xf32, #tpu.memory_space<hbm>>
    %dma_start3A_14 = arith.constant 0 : i32
    %dma_start3A_15 = tpu.memref_slice %dma_start3A_13[%add3A, %dma_start3A_14] : memref<32x100001xf32, #tpu.memory_space<hbm>> -> memref<1x100001xf32, #tpu.memory_space<hbm>>
    %dma_start3A_16 = tpu.memref_squeeze %dma_start3A_15 : memref<1x100001xf32, #tpu.memory_space<hbm>> -> memref<100001xf32, #tpu.memory_space<hbm>>
    tpu.enqueue_dma source(%dma_start3A_16 : memref<100001xf32, #tpu.memory_space<hbm>>) target(%arg5 : memref<100001xf32, #tpu.memory_space<vmem>>) target_semaphore(%arg9 : memref<!tpu.dma_semaphore, #tpu.memory_space<semaphore_mem>>)
    %dma_start3A_17 = arith.constant 0 : i32
    %dma_start3A_18 = arith.constant 0 : i32
    %dma_start3A_19 = tpu.memref_slice %arg8[%dma_start3A_17, %dma_start3A_18] : memref<2x16384xi32, #tpu.memory_space<vmem_shared>> -> memref<1x16384xi32, #tpu.memory_space<vmem_shared>>
    %dma_start3A_20 = arith.constant 0 : i32
    %dma_start3A_21 = arith.constant 0 : i32
    %dma_start3A_22 = tpu.memref_slice %arg8[%dma_start3A_20, %dma_start3A_21] : memref<2x16384xi32, #tpu.memory_space<vmem_shared>> -> memref<1x16384xi32, #tpu.memory_space<vmem_shared>>
    tpu.enqueue_dma source(%dma_start3A_22 : memref<1x16384xi32, #tpu.memory_space<vmem_shared>>) target(%arg6 : memref<1x16384xi32, #tpu.memory_space<vmem>>) target_semaphore(%arg10 : memref<!tpu.dma_semaphore, #tpu.memory_space<semaphore_mem>>)
    %scan3A = arith.constant 0 : i32
    %scan3A_23 = arith.constant 0 : i32
    %scan3A_24 = arith.constant 26 : i32
    %scan3A_25 = arith.addi %scan3A_23, %scan3A_24 : i32
    %scan3A_26 = arith.constant 1 : i32
    scf.for %scan3A_69 = %scan3A_23 to %scan3A_25 step %scan3A_26  : i32 {
      %rem3A = arith.constant 2 : i32
      %rem3A_70 = arith.remsi %scan3A_69, %rem3A : i32
      %dma_wait3A_71 = arith.constant 0 : i32
      %dma_wait3A_72 = tpu.memref_slice %arg8[%rem3A_70, %dma_wait3A_71] : memref<2x16384xi32, #tpu.memory_space<vmem_shared>> -> memref<1x16384xi32, #tpu.memory_space<vmem_shared>>
      %dma_wait3A_73 = arith.constant 0 : i32
      %dma_wait3A_74 = tpu.memref_slice %arg8[%rem3A_70, %dma_wait3A_73] : memref<2x16384xi32, #tpu.memory_space<vmem_shared>> -> memref<1x16384xi32, #tpu.memory_space<vmem_shared>>
      tpu.wait_dma2 semaphore(%arg10 : memref<!tpu.dma_semaphore, #tpu.memory_space<semaphore_mem>>) src(%dma_wait3A_74 : memref<1x16384xi32, #tpu.memory_space<vmem_shared>>) dst(%arg6 : memref<1x16384xi32, #tpu.memory_space<vmem>>)
      %barrier3A_75 = arith.constant 0 : index
      tpu.barrier barrier_id(%barrier3A_75)
      %eq3A_76 = arith.constant 0 : i32
      %eq3A_77 = arith.cmpi eq, %arg1, %eq3A_76 : i32
      %lt3A = arith.constant 24 : i32
      %lt3A_78 = arith.cmpi slt, %scan3A_69, %lt3A : i32
      %and3A = arith.andi %eq3A_77, %lt3A_78 : i1
      %convert_element_type3A_79 = arith.extui %and3A : i1 to i32
      %cond3A_80 = arith.constant 0 : i32
      %cond3A_81 = arith.cmpi ne, %convert_element_type3A_79, %cond3A_80 : i32
      scf.if %cond3A_81 {
        %add3A_243 = arith.constant 2 : i32
        %add3A_244 = arith.addi %scan3A_69, %add3A_243 : i32
        %dma_start3A_245 = arith.constant 0 : i32
        %dma_start3A_246 = tpu.memref_slice %arg8[%rem3A_70, %dma_start3A_245] : memref<2x16384xi32, #tpu.memory_space<vmem_shared>> -> memref<1x16384xi32, #tpu.memory_space<vmem_shared>>
        %dma_start3A_247 = arith.constant 0 : i32
        %dma_start3A_248 = tpu.memref_slice %arg2[%add3A_244, %dma_start3A_247] : memref<26x16384xi32, #tpu.memory_space<hbm>> -> memref<1x16384xi32, #tpu.memory_space<hbm>>
        tpu.enqueue_dma source(%dma_start3A_248 : memref<1x16384xi32, #tpu.memory_space<hbm>>) target(%dma_start3A_246 : memref<1x16384xi32, #tpu.memory_space<vmem_shared>>) target_semaphore(%arg11 : memref<!tpu.dma_semaphore, #tpu.memory_space<semaphore_mem>>)
      } else {
      }
      %dma_wait3A_82 = arith.constant 0 : i32
      %dma_wait3A_83 = arith.constant 0 : i32
      %dma_wait3A_84 = tpu.memref_slice %arg3[%scan3A_69, %dma_wait3A_82, %dma_wait3A_83] : memref<26x32x100001xf32, #tpu.memory_space<hbm>> -> memref<1x32x100001xf32, #tpu.memory_space<hbm>>
      %dma_wait3A_85 = tpu.memref_squeeze %dma_wait3A_84 : memref<1x32x100001xf32, #tpu.memory_space<hbm>> -> memref<32x100001xf32, #tpu.memory_space<hbm>>
      %dma_wait3A_86 = arith.constant 0 : i32
      %dma_wait3A_87 = tpu.memref_slice %dma_wait3A_85[%add3A, %dma_wait3A_86] : memref<32x100001xf32, #tpu.memory_space<hbm>> -> memref<1x100001xf32, #tpu.memory_space<hbm>>
      %dma_wait3A_88 = tpu.memref_squeeze %dma_wait3A_87 : memref<1x100001xf32, #tpu.memory_space<hbm>> -> memref<100001xf32, #tpu.memory_space<hbm>>
      %dma_wait3A_89 = arith.constant 0 : i32
      %dma_wait3A_90 = arith.constant 0 : i32
      %dma_wait3A_91 = tpu.memref_slice %arg3[%scan3A_69, %dma_wait3A_89, %dma_wait3A_90] : memref<26x32x100001xf32, #tpu.memory_space<hbm>> -> memref<1x32x100001xf32, #tpu.memory_space<hbm>>
      %dma_wait3A_92 = tpu.memref_squeeze %dma_wait3A_91 : memref<1x32x100001xf32, #tpu.memory_space<hbm>> -> memref<32x100001xf32, #tpu.memory_space<hbm>>
      %dma_wait3A_93 = arith.constant 0 : i32
      %dma_wait3A_94 = tpu.memref_slice %dma_wait3A_92[%add3A, %dma_wait3A_93] : memref<32x100001xf32, #tpu.memory_space<hbm>> -> memref<1x100001xf32, #tpu.memory_space<hbm>>
      %dma_wait3A_95 = tpu.memref_squeeze %dma_wait3A_94 : memref<1x100001xf32, #tpu.memory_space<hbm>> -> memref<100001xf32, #tpu.memory_space<hbm>>
      tpu.wait_dma2 semaphore(%arg9 : memref<!tpu.dma_semaphore, #tpu.memory_space<semaphore_mem>>) src(%dma_wait3A_95 : memref<100001xf32, #tpu.memory_space<hbm>>) dst(%arg5 : memref<100001xf32, #tpu.memory_space<vmem>>)
      %gt3A = arith.constant 0 : i32
      %gt3A_96 = arith.cmpi sgt, %scan3A_69, %gt3A : i32
      %convert_element_type3A_97 = arith.extui %gt3A_96 : i1 to i32
      %cond3A_98 = arith.constant 0 : i32
      %cond3A_99 = arith.cmpi ne, %convert_element_type3A_97, %cond3A_98 : i32
      scf.if %cond3A_99 {
        %dma_wait3A_243 = arith.constant 0 : i32
        %dma_wait3A_244 = arith.constant 0 : i32
        %dma_wait3A_245 = tpu.memref_slice %arg7[%dma_wait3A_243, %dma_wait3A_244] : memref<2x4096xf32, #tpu.memory_space<vmem>> -> memref<1x4096xf32, #tpu.memory_space<vmem>>
        %dma_wait3A_246 = arith.constant 0 : i32
        %dma_wait3A_247 = arith.constant 0 : i32
        %dma_wait3A_248 = tpu.memref_slice %arg4[%scan3A_69, %dma_wait3A_246, %dma_wait3A_247] : memref<26x32x16384xf32, #tpu.memory_space<hbm>> -> memref<1x32x16384xf32, #tpu.memory_space<hbm>>
        %dma_wait3A_249 = tpu.memref_squeeze %dma_wait3A_248 : memref<1x32x16384xf32, #tpu.memory_space<hbm>> -> memref<32x16384xf32, #tpu.memory_space<hbm>>
        %dma_wait3A_250 = arith.constant 0 : i32
        %dma_wait3A_251 = tpu.memref_slice %dma_wait3A_249[%add3A, %dma_wait3A_250] : memref<32x16384xf32, #tpu.memory_space<hbm>> -> memref<1x4096xf32, #tpu.memory_space<hbm>>
        %dma_wait3A_252 = arith.constant 0 : i32
        %dma_wait3A_253 = arith.constant 0 : i32
        %dma_wait3A_254 = tpu.memref_slice %arg4[%scan3A_69, %dma_wait3A_252, %dma_wait3A_253] : memref<26x32x16384xf32, #tpu.memory_space<hbm>> -> memref<1x32x16384xf32, #tpu.memory_space<hbm>>
        %dma_wait3A_255 = tpu.memref_squeeze %dma_wait3A_254 : memref<1x32x16384xf32, #tpu.memory_space<hbm>> -> memref<32x16384xf32, #tpu.memory_space<hbm>>
        %dma_wait3A_256 = arith.constant 0 : i32
        %dma_wait3A_257 = tpu.memref_slice %dma_wait3A_255[%add3A, %dma_wait3A_256] : memref<32x16384xf32, #tpu.memory_space<hbm>> -> memref<1x4096xf32, #tpu.memory_space<hbm>>
        %dma_wait3A_258 = arith.constant 0 : i32
        %dma_wait3A_259 = arith.constant 0 : i32
        %dma_wait3A_260 = tpu.memref_slice %arg7[%dma_wait3A_258, %dma_wait3A_259] : memref<2x4096xf32, #tpu.memory_space<vmem>> -> memref<1x4096xf32, #tpu.memory_space<vmem>>
        tpu.wait_dma2 semaphore(%arg12 : memref<!tpu.dma_semaphore, #tpu.memory_space<semaphore_mem>>) src(%dma_wait3A_260 : memref<1x4096xf32, #tpu.memory_space<vmem>>) dst(%dma_wait3A_257 : memref<1x4096xf32, #tpu.memory_space<hbm>>)
      } else {
      }
      %parallel_loop3A = arith.constant 0 : i32
      %parallel_loop3A_100 = arith.constant 256 : i32
      %parallel_loop3A_101 = arith.constant 1 : i32
      scf.for %parallel_loop3A_243 = %parallel_loop3A to %parallel_loop3A_100 step %parallel_loop3A_101  : i32 {
        %parallel_loop3A_244 = arith.constant 16 : i32
        %parallel_loop3A_245 = arith.muli %parallel_loop3A_243, %parallel_loop3A_244 : i32
        %parallel_loop3A_246 = arith.constant 0 : i32
        %parallel_loop3A_247 = arith.addi %parallel_loop3A_246, %parallel_loop3A_245 : i32
        %parallel_loop3A_248 = arith.constant 0 : i32
        %parallel_loop3A_249 = arith.index_cast %parallel_loop3A_248 : i32 to index
        %parallel_loop3A_250 = arith.index_cast %parallel_loop3A_247 : i32 to index
        %parallel_loop3A_251 = tpu.vector_load %arg6[%parallel_loop3A_249, %parallel_loop3A_250] {strides = array<i32>} : memref<1x16384xi32, #tpu.memory_space<vmem>>, vector<16xi32>,
        %parallel_loop3A_252 = tpu.vector_load_idx %arg5[%parallel_loop3A_251] : memref<100001xf32, #tpu.memory_space<vmem>>[vector<16xi32>], vector<16xf32>,
        %parallel_loop3A_253 = arith.constant 16 : i32
        %parallel_loop3A_254 = arith.muli %parallel_loop3A_243, %parallel_loop3A_253 : i32
        %parallel_loop3A_255 = arith.constant 0 : i32
        %parallel_loop3A_256 = arith.index_cast %parallel_loop3A_255 : i32 to index
        %parallel_loop3A_257 = arith.index_cast %parallel_loop3A_254 : i32 to index
        %parallel_loop3A_258 = tpu.vector_load %arg7[%parallel_loop3A_256, %parallel_loop3A_257] {strides = array<i32>} : memref<2x4096xf32, #tpu.memory_space<vmem>>, vector<16xf32>,
        tpu.vector_store %arg7[%parallel_loop3A_256, %parallel_loop3A_257], %parallel_loop3A_252 {strides = array<i32>} : memref<2x4096xf32, #tpu.memory_space<vmem>>, vector<16xf32>,
      } {sc.loop_unroll_factor = 16 : i64, sc.parallel_access}
      %dma_start3A_102 = arith.constant 0 : i32
      %dma_start3A_103 = arith.constant 0 : i32
      %dma_start3A_104 = tpu.memref_slice %arg7[%dma_start3A_102, %dma_start3A_103] : memref<2x4096xf32, #tpu.memory_space<vmem>> -> memref<1x4096xf32, #tpu.memory_space<vmem>>
      %dma_start3A_105 = arith.constant 0 : i32
      %dma_start3A_106 = arith.constant 0 : i32
      %dma_start3A_107 = tpu.memref_slice %arg4[%scan3A_69, %dma_start3A_105, %dma_start3A_106] : memref<26x32x16384xf32, #tpu.memory_space<hbm>> -> memref<1x32x16384xf32, #tpu.memory_space<hbm>>
      %dma_start3A_108 = tpu.memref_squeeze %dma_start3A_107 : memref<1x32x16384xf32, #tpu.memory_space<hbm>> -> memref<32x16384xf32, #tpu.memory_space<hbm>>
      %dma_start3A_109 = arith.constant 0 : i32
      %dma_start3A_110 = tpu.memref_slice %dma_start3A_108[%add3A, %dma_start3A_109] : memref<32x16384xf32, #tpu.memory_space<hbm>> -> memref<1x4096xf32, #tpu.memory_space<hbm>>
      %dma_start3A_111 = arith.constant 0 : i32
      %dma_start3A_112 = arith.constant 0 : i32
      %dma_start3A_113 = tpu.memref_slice %arg4[%scan3A_69, %dma_start3A_111, %dma_start3A_112] : memref<26x32x16384xf32, #tpu.memory_space<hbm>> -> memref<1x32x16384xf32, #tpu.memory_space<hbm>>
      %dma_start3A_114 = tpu.memref_squeeze %dma_start3A_113 : memref<1x32x16384xf32, #tpu.memory_space<hbm>> -> memref<32x16384xf32, #tpu.memory_space<hbm>>
      %dma_start3A_115 = arith.constant 0 : i32
      %dma_start3A_116 = tpu.memref_slice %dma_start3A_114[%add3A, %dma_start3A_115] : memref<32x16384xf32, #tpu.memory_space<hbm>> -> memref<1x4096xf32, #tpu.memory_space<hbm>>
      %dma_start3A_117 = arith.constant 0 : i32
      %dma_start3A_118 = arith.constant 0 : i32
      %dma_start3A_119 = tpu.memref_slice %arg7[%dma_start3A_117, %dma_start3A_118] : memref<2x4096xf32, #tpu.memory_space<vmem>> -> memref<1x4096xf32, #tpu.memory_space<vmem>>
      tpu.enqueue_dma source(%dma_start3A_119 : memref<1x4096xf32, #tpu.memory_space<vmem>>) target(%dma_start3A_116 : memref<1x4096xf32, #tpu.memory_space<hbm>>) target_semaphore(%arg12 : memref<!tpu.dma_semaphore, #tpu.memory_space<semaphore_mem>>)
      %gt3A_120 = arith.constant 0 : i32
      %gt3A_121 = arith.cmpi sgt, %scan3A_69, %gt3A_120 : i32
      %convert_element_type3A_122 = arith.extui %gt3A_121 : i1 to i32
      %cond3A_123 = arith.constant 0 : i32
      %cond3A_124 = arith.cmpi ne, %convert_element_type3A_122, %cond3A_123 : i32
      scf.if %cond3A_124 {
        %dma_wait3A_243 = arith.constant 1 : i32
        %dma_wait3A_244 = arith.constant 0 : i32
        %dma_wait3A_245 = tpu.memref_slice %arg7[%dma_wait3A_243, %dma_wait3A_244] : memref<2x4096xf32, #tpu.memory_space<vmem>> -> memref<1x4096xf32, #tpu.memory_space<vmem>>
        %dma_wait3A_246 = arith.constant 0 : i32
        %dma_wait3A_247 = arith.constant 0 : i32
        %dma_wait3A_248 = tpu.memref_slice %arg4[%scan3A_69, %dma_wait3A_246, %dma_wait3A_247] : memref<26x32x16384xf32, #tpu.memory_space<hbm>> -> memref<1x32x16384xf32, #tpu.memory_space<hbm>>
        %dma_wait3A_249 = tpu.memref_squeeze %dma_wait3A_248 : memref<1x32x16384xf32, #tpu.memory_space<hbm>> -> memref<32x16384xf32, #tpu.memory_space<hbm>>
        %dma_wait3A_250 = arith.constant 4096 : i32
        %dma_wait3A_251 = tpu.memref_slice %dma_wait3A_249[%add3A, %dma_wait3A_250] : memref<32x16384xf32, #tpu.memory_space<hbm>> -> memref<1x4096xf32, #tpu.memory_space<hbm>>
        %dma_wait3A_252 = arith.constant 0 : i32
        %dma_wait3A_253 = arith.constant 0 : i32
        %dma_wait3A_254 = tpu.memref_slice %arg4[%scan3A_69, %dma_wait3A_252, %dma_wait3A_253] : memref<26x32x16384xf32, #tpu.memory_space<hbm>> -> memref<1x32x16384xf32, #tpu.memory_space<hbm>>
        %dma_wait3A_255 = tpu.memref_squeeze %dma_wait3A_254 : memref<1x32x16384xf32, #tpu.memory_space<hbm>> -> memref<32x16384xf32, #tpu.memory_space<hbm>>
        %dma_wait3A_256 = arith.constant 4096 : i32
        %dma_wait3A_257 = tpu.memref_slice %dma_wait3A_255[%add3A, %dma_wait3A_256] : memref<32x16384xf32, #tpu.memory_space<hbm>> -> memref<1x4096xf32, #tpu.memory_space<hbm>>
        %dma_wait3A_258 = arith.constant 1 : i32
        %dma_wait3A_259 = arith.constant 0 : i32
        %dma_wait3A_260 = tpu.memref_slice %arg7[%dma_wait3A_258, %dma_wait3A_259] : memref<2x4096xf32, #tpu.memory_space<vmem>> -> memref<1x4096xf32, #tpu.memory_space<vmem>>
        tpu.wait_dma2 semaphore(%arg13 : memref<!tpu.dma_semaphore, #tpu.memory_space<semaphore_mem>>) src(%dma_wait3A_260 : memref<1x4096xf32, #tpu.memory_space<vmem>>) dst(%dma_wait3A_257 : memref<1x4096xf32, #tpu.memory_space<hbm>>)
      } else {
      }
      %parallel_loop3A_125 = arith.constant 0 : i32
      %parallel_loop3A_126 = arith.constant 256 : i32
      %parallel_loop3A_127 = arith.constant 1 : i32
      scf.for %parallel_loop3A_243 = %parallel_loop3A_125 to %parallel_loop3A_126 step %parallel_loop3A_127  : i32 {
        %parallel_loop3A_244 = arith.constant 16 : i32
        %parallel_loop3A_245 = arith.muli %parallel_loop3A_243, %parallel_loop3A_244 : i32
        %parallel_loop3A_246 = arith.constant 4096 : i32
        %parallel_loop3A_247 = arith.addi %parallel_loop3A_246, %parallel_loop3A_245 : i32
        %parallel_loop3A_248 = arith.constant 0 : i32
        %parallel_loop3A_249 = arith.index_cast %parallel_loop3A_248 : i32 to index
        %parallel_loop3A_250 = arith.index_cast %parallel_loop3A_247 : i32 to index
        %parallel_loop3A_251 = tpu.vector_load %arg6[%parallel_loop3A_249, %parallel_loop3A_250] {strides = array<i32>} : memref<1x16384xi32, #tpu.memory_space<vmem>>, vector<16xi32>,
        %parallel_loop3A_252 = tpu.vector_load_idx %arg5[%parallel_loop3A_251] : memref<100001xf32, #tpu.memory_space<vmem>>[vector<16xi32>], vector<16xf32>,
        %parallel_loop3A_253 = arith.constant 16 : i32
        %parallel_loop3A_254 = arith.muli %parallel_loop3A_243, %parallel_loop3A_253 : i32
        %parallel_loop3A_255 = arith.constant 1 : i32
        %parallel_loop3A_256 = arith.index_cast %parallel_loop3A_255 : i32 to index
        %parallel_loop3A_257 = arith.index_cast %parallel_loop3A_254 : i32 to index
        %parallel_loop3A_258 = tpu.vector_load %arg7[%parallel_loop3A_256, %parallel_loop3A_257] {strides = array<i32>} : memref<2x4096xf32, #tpu.memory_space<vmem>>, vector<16xf32>,
        tpu.vector_store %arg7[%parallel_loop3A_256, %parallel_loop3A_257], %parallel_loop3A_252 {strides = array<i32>} : memref<2x4096xf32, #tpu.memory_space<vmem>>, vector<16xf32>,
      } {sc.loop_unroll_factor = 16 : i64, sc.parallel_access}
      %dma_start3A_128 = arith.constant 1 : i32
      %dma_start3A_129 = arith.constant 0 : i32
      %dma_start3A_130 = tpu.memref_slice %arg7[%dma_start3A_128, %dma_start3A_129] : memref<2x4096xf32, #tpu.memory_space<vmem>> -> memref<1x4096xf32, #tpu.memory_space<vmem>>
      %dma_start3A_131 = arith.constant 0 : i32
      %dma_start3A_132 = arith.constant 0 : i32
      %dma_start3A_133 = tpu.memref_slice %arg4[%scan3A_69, %dma_start3A_131, %dma_start3A_132] : memref<26x32x16384xf32, #tpu.memory_space<hbm>> -> memref<1x32x16384xf32, #tpu.memory_space<hbm>>
      %dma_start3A_134 = tpu.memref_squeeze %dma_start3A_133 : memref<1x32x16384xf32, #tpu.memory_space<hbm>> -> memref<32x16384xf32, #tpu.memory_space<hbm>>
      %dma_start3A_135 = arith.constant 4096 : i32
      %dma_start3A_136 = tpu.memref_slice %dma_start3A_134[%add3A, %dma_start3A_135] : memref<32x16384xf32, #tpu.memory_space<hbm>> -> memref<1x4096xf32, #tpu.memory_space<hbm>>
      %dma_start3A_137 = arith.constant 0 : i32
      %dma_start3A_138 = arith.constant 0 : i32
      %dma_start3A_139 = tpu.memref_slice %arg4[%scan3A_69, %dma_start3A_137, %dma_start3A_138] : memref<26x32x16384xf32, #tpu.memory_space<hbm>> -> memref<1x32x16384xf32, #tpu.memory_space<hbm>>
      %dma_start3A_140 = tpu.memref_squeeze %dma_start3A_139 : memref<1x32x16384xf32, #tpu.memory_space<hbm>> -> memref<32x16384xf32, #tpu.memory_space<hbm>>
      %dma_start3A_141 = arith.constant 4096 : i32
      %dma_start3A_142 = tpu.memref_slice %dma_start3A_140[%add3A, %dma_start3A_141] : memref<32x16384xf32, #tpu.memory_space<hbm>> -> memref<1x4096xf32, #tpu.memory_space<hbm>>
      %dma_start3A_143 = arith.constant 1 : i32
      %dma_start3A_144 = arith.constant 0 : i32
      %dma_start3A_145 = tpu.memref_slice %arg7[%dma_start3A_143, %dma_start3A_144] : memref<2x4096xf32, #tpu.memory_space<vmem>> -> memref<1x4096xf32, #tpu.memory_space<vmem>>
      tpu.enqueue_dma source(%dma_start3A_145 : memref<1x4096xf32, #tpu.memory_space<vmem>>) target(%dma_start3A_142 : memref<1x4096xf32, #tpu.memory_space<hbm>>) target_semaphore(%arg13 : memref<!tpu.dma_semaphore, #tpu.memory_space<semaphore_mem>>)
      %dma_wait3A_146 = arith.constant 0 : i32
      %dma_wait3A_147 = arith.constant 0 : i32
      %dma_wait3A_148 = tpu.memref_slice %arg7[%dma_wait3A_146, %dma_wait3A_147] : memref<2x4096xf32, #tpu.memory_space<vmem>> -> memref<1x4096xf32, #tpu.memory_space<vmem>>
      %dma_wait3A_149 = arith.constant 0 : i32
      %dma_wait3A_150 = arith.constant 0 : i32
      %dma_wait3A_151 = tpu.memref_slice %arg4[%scan3A_69, %dma_wait3A_149, %dma_wait3A_150] : memref<26x32x16384xf32, #tpu.memory_space<hbm>> -> memref<1x32x16384xf32, #tpu.memory_space<hbm>>
      %dma_wait3A_152 = tpu.memref_squeeze %dma_wait3A_151 : memref<1x32x16384xf32, #tpu.memory_space<hbm>> -> memref<32x16384xf32, #tpu.memory_space<hbm>>
      %dma_wait3A_153 = arith.constant 8192 : i32
      %dma_wait3A_154 = tpu.memref_slice %dma_wait3A_152[%add3A, %dma_wait3A_153] : memref<32x16384xf32, #tpu.memory_space<hbm>> -> memref<1x4096xf32, #tpu.memory_space<hbm>>
      %dma_wait3A_155 = arith.constant 0 : i32
      %dma_wait3A_156 = arith.constant 0 : i32
      %dma_wait3A_157 = tpu.memref_slice %arg4[%scan3A_69, %dma_wait3A_155, %dma_wait3A_156] : memref<26x32x16384xf32, #tpu.memory_space<hbm>> -> memref<1x32x16384xf32, #tpu.memory_space<hbm>>
      %dma_wait3A_158 = tpu.memref_squeeze %dma_wait3A_157 : memref<1x32x16384xf32, #tpu.memory_space<hbm>> -> memref<32x16384xf32, #tpu.memory_space<hbm>>
      %dma_wait3A_159 = arith.constant 8192 : i32
      %dma_wait3A_160 = tpu.memref_slice %dma_wait3A_158[%add3A, %dma_wait3A_159] : memref<32x16384xf32, #tpu.memory_space<hbm>> -> memref<1x4096xf32, #tpu.memory_space<hbm>>
      %dma_wait3A_161 = arith.constant 0 : i32
      %dma_wait3A_162 = arith.constant 0 : i32
      %dma_wait3A_163 = tpu.memref_slice %arg7[%dma_wait3A_161, %dma_wait3A_162] : memref<2x4096xf32, #tpu.memory_space<vmem>> -> memref<1x4096xf32, #tpu.memory_space<vmem>>
      tpu.wait_dma2 semaphore(%arg12 : memref<!tpu.dma_semaphore, #tpu.memory_space<semaphore_mem>>) src(%dma_wait3A_163 : memref<1x4096xf32, #tpu.memory_space<vmem>>) dst(%dma_wait3A_160 : memref<1x4096xf32, #tpu.memory_space<hbm>>)
      %parallel_loop3A_164 = arith.constant 0 : i32
      %parallel_loop3A_165 = arith.constant 256 : i32
      %parallel_loop3A_166 = arith.constant 1 : i32
      scf.for %parallel_loop3A_243 = %parallel_loop3A_164 to %parallel_loop3A_165 step %parallel_loop3A_166  : i32 {
        %parallel_loop3A_244 = arith.constant 16 : i32
        %parallel_loop3A_245 = arith.muli %parallel_loop3A_243, %parallel_loop3A_244 : i32
        %parallel_loop3A_246 = arith.constant 8192 : i32
        %parallel_loop3A_247 = arith.addi %parallel_loop3A_246, %parallel_loop3A_245 : i32
        %parallel_loop3A_248 = arith.constant 0 : i32
        %parallel_loop3A_249 = arith.index_cast %parallel_loop3A_248 : i32 to index
        %parallel_loop3A_250 = arith.index_cast %parallel_loop3A_247 : i32 to index
        %parallel_loop3A_251 = tpu.vector_load %arg6[%parallel_loop3A_249, %parallel_loop3A_250] {strides = array<i32>} : memref<1x16384xi32, #tpu.memory_space<vmem>>, vector<16xi32>,
        %parallel_loop3A_252 = tpu.vector_load_idx %arg5[%parallel_loop3A_251] : memref<100001xf32, #tpu.memory_space<vmem>>[vector<16xi32>], vector<16xf32>,
        %parallel_loop3A_253 = arith.constant 16 : i32
        %parallel_loop3A_254 = arith.muli %parallel_loop3A_243, %parallel_loop3A_253 : i32
        %parallel_loop3A_255 = arith.constant 0 : i32
        %parallel_loop3A_256 = arith.index_cast %parallel_loop3A_255 : i32 to index
        %parallel_loop3A_257 = arith.index_cast %parallel_loop3A_254 : i32 to index
        %parallel_loop3A_258 = tpu.vector_load %arg7[%parallel_loop3A_256, %parallel_loop3A_257] {strides = array<i32>} : memref<2x4096xf32, #tpu.memory_space<vmem>>, vector<16xf32>,
        tpu.vector_store %arg7[%parallel_loop3A_256, %parallel_loop3A_257], %parallel_loop3A_252 {strides = array<i32>} : memref<2x4096xf32, #tpu.memory_space<vmem>>, vector<16xf32>,
      } {sc.loop_unroll_factor = 16 : i64, sc.parallel_access}
      %dma_start3A_167 = arith.constant 0 : i32
      %dma_start3A_168 = arith.constant 0 : i32
      %dma_start3A_169 = tpu.memref_slice %arg7[%dma_start3A_167, %dma_start3A_168] : memref<2x4096xf32, #tpu.memory_space<vmem>> -> memref<1x4096xf32, #tpu.memory_space<vmem>>
      %dma_start3A_170 = arith.constant 0 : i32
      %dma_start3A_171 = arith.constant 0 : i32
      %dma_start3A_172 = tpu.memref_slice %arg4[%scan3A_69, %dma_start3A_170, %dma_start3A_171] : memref<26x32x16384xf32, #tpu.memory_space<hbm>> -> memref<1x32x16384xf32, #tpu.memory_space<hbm>>
      %dma_start3A_173 = tpu.memref_squeeze %dma_start3A_172 : memref<1x32x16384xf32, #tpu.memory_space<hbm>> -> memref<32x16384xf32, #tpu.memory_space<hbm>>
      %dma_start3A_174 = arith.constant 8192 : i32
      %dma_start3A_175 = tpu.memref_slice %dma_start3A_173[%add3A, %dma_start3A_174] : memref<32x16384xf32, #tpu.memory_space<hbm>> -> memref<1x4096xf32, #tpu.memory_space<hbm>>
      %dma_start3A_176 = arith.constant 0 : i32
      %dma_start3A_177 = arith.constant 0 : i32
      %dma_start3A_178 = tpu.memref_slice %arg4[%scan3A_69, %dma_start3A_176, %dma_start3A_177] : memref<26x32x16384xf32, #tpu.memory_space<hbm>> -> memref<1x32x16384xf32, #tpu.memory_space<hbm>>
      %dma_start3A_179 = tpu.memref_squeeze %dma_start3A_178 : memref<1x32x16384xf32, #tpu.memory_space<hbm>> -> memref<32x16384xf32, #tpu.memory_space<hbm>>
      %dma_start3A_180 = arith.constant 8192 : i32
      %dma_start3A_181 = tpu.memref_slice %dma_start3A_179[%add3A, %dma_start3A_180] : memref<32x16384xf32, #tpu.memory_space<hbm>> -> memref<1x4096xf32, #tpu.memory_space<hbm>>
      %dma_start3A_182 = arith.constant 0 : i32
      %dma_start3A_183 = arith.constant 0 : i32
      %dma_start3A_184 = tpu.memref_slice %arg7[%dma_start3A_182, %dma_start3A_183] : memref<2x4096xf32, #tpu.memory_space<vmem>> -> memref<1x4096xf32, #tpu.memory_space<vmem>>
      tpu.enqueue_dma source(%dma_start3A_184 : memref<1x4096xf32, #tpu.memory_space<vmem>>) target(%dma_start3A_181 : memref<1x4096xf32, #tpu.memory_space<hbm>>) target_semaphore(%arg12 : memref<!tpu.dma_semaphore, #tpu.memory_space<semaphore_mem>>)
      %dma_wait3A_185 = arith.constant 1 : i32
      %dma_wait3A_186 = arith.constant 0 : i32
      %dma_wait3A_187 = tpu.memref_slice %arg7[%dma_wait3A_185, %dma_wait3A_186] : memref<2x4096xf32, #tpu.memory_space<vmem>> -> memref<1x4096xf32, #tpu.memory_space<vmem>>
      %dma_wait3A_188 = arith.constant 0 : i32
      %dma_wait3A_189 = arith.constant 0 : i32
      %dma_wait3A_190 = tpu.memref_slice %arg4[%scan3A_69, %dma_wait3A_188, %dma_wait3A_189] : memref<26x32x16384xf32, #tpu.memory_space<hbm>> -> memref<1x32x16384xf32, #tpu.memory_space<hbm>>
      %dma_wait3A_191 = tpu.memref_squeeze %dma_wait3A_190 : memref<1x32x16384xf32, #tpu.memory_space<hbm>> -> memref<32x16384xf32, #tpu.memory_space<hbm>>
      %dma_wait3A_192 = arith.constant 12288 : i32
      %dma_wait3A_193 = tpu.memref_slice %dma_wait3A_191[%add3A, %dma_wait3A_192] : memref<32x16384xf32, #tpu.memory_space<hbm>> -> memref<1x4096xf32, #tpu.memory_space<hbm>>
      %dma_wait3A_194 = arith.constant 0 : i32
      %dma_wait3A_195 = arith.constant 0 : i32
      %dma_wait3A_196 = tpu.memref_slice %arg4[%scan3A_69, %dma_wait3A_194, %dma_wait3A_195] : memref<26x32x16384xf32, #tpu.memory_space<hbm>> -> memref<1x32x16384xf32, #tpu.memory_space<hbm>>
      %dma_wait3A_197 = tpu.memref_squeeze %dma_wait3A_196 : memref<1x32x16384xf32, #tpu.memory_space<hbm>> -> memref<32x16384xf32, #tpu.memory_space<hbm>>
      %dma_wait3A_198 = arith.constant 12288 : i32
      %dma_wait3A_199 = tpu.memref_slice %dma_wait3A_197[%add3A, %dma_wait3A_198] : memref<32x16384xf32, #tpu.memory_space<hbm>> -> memref<1x4096xf32, #tpu.memory_space<hbm>>
      %dma_wait3A_200 = arith.constant 1 : i32
      %dma_wait3A_201 = arith.constant 0 : i32
      %dma_wait3A_202 = tpu.memref_slice %arg7[%dma_wait3A_200, %dma_wait3A_201] : memref<2x4096xf32, #tpu.memory_space<vmem>> -> memref<1x4096xf32, #tpu.memory_space<vmem>>
      tpu.wait_dma2 semaphore(%arg13 : memref<!tpu.dma_semaphore, #tpu.memory_space<semaphore_mem>>) src(%dma_wait3A_202 : memref<1x4096xf32, #tpu.memory_space<vmem>>) dst(%dma_wait3A_199 : memref<1x4096xf32, #tpu.memory_space<hbm>>)
      %parallel_loop3A_203 = arith.constant 0 : i32
      %parallel_loop3A_204 = arith.constant 256 : i32
      %parallel_loop3A_205 = arith.constant 1 : i32
      scf.for %parallel_loop3A_243 = %parallel_loop3A_203 to %parallel_loop3A_204 step %parallel_loop3A_205  : i32 {
        %parallel_loop3A_244 = arith.constant 16 : i32
        %parallel_loop3A_245 = arith.muli %parallel_loop3A_243, %parallel_loop3A_244 : i32
        %parallel_loop3A_246 = arith.constant 12288 : i32
        %parallel_loop3A_247 = arith.addi %parallel_loop3A_246, %parallel_loop3A_245 : i32
        %parallel_loop3A_248 = arith.constant 0 : i32
        %parallel_loop3A_249 = arith.index_cast %parallel_loop3A_248 : i32 to index
        %parallel_loop3A_250 = arith.index_cast %parallel_loop3A_247 : i32 to index
        %parallel_loop3A_251 = tpu.vector_load %arg6[%parallel_loop3A_249, %parallel_loop3A_250] {strides = array<i32>} : memref<1x16384xi32, #tpu.memory_space<vmem>>, vector<16xi32>,
        %parallel_loop3A_252 = tpu.vector_load_idx %arg5[%parallel_loop3A_251] : memref<100001xf32, #tpu.memory_space<vmem>>[vector<16xi32>], vector<16xf32>,
        %parallel_loop3A_253 = arith.constant 16 : i32
        %parallel_loop3A_254 = arith.muli %parallel_loop3A_243, %parallel_loop3A_253 : i32
        %parallel_loop3A_255 = arith.constant 1 : i32
        %parallel_loop3A_256 = arith.index_cast %parallel_loop3A_255 : i32 to index
        %parallel_loop3A_257 = arith.index_cast %parallel_loop3A_254 : i32 to index
        %parallel_loop3A_258 = tpu.vector_load %arg7[%parallel_loop3A_256, %parallel_loop3A_257] {strides = array<i32>} : memref<2x4096xf32, #tpu.memory_space<vmem>>, vector<16xf32>,
        tpu.vector_store %arg7[%parallel_loop3A_256, %parallel_loop3A_257], %parallel_loop3A_252 {strides = array<i32>} : memref<2x4096xf32, #tpu.memory_space<vmem>>, vector<16xf32>,
      } {sc.loop_unroll_factor = 16 : i64, sc.parallel_access}
      %dma_start3A_206 = arith.constant 1 : i32
      %dma_start3A_207 = arith.constant 0 : i32
      %dma_start3A_208 = tpu.memref_slice %arg7[%dma_start3A_206, %dma_start3A_207] : memref<2x4096xf32, #tpu.memory_space<vmem>> -> memref<1x4096xf32, #tpu.memory_space<vmem>>
      %dma_start3A_209 = arith.constant 0 : i32
      %dma_start3A_210 = arith.constant 0 : i32
      %dma_start3A_211 = tpu.memref_slice %arg4[%scan3A_69, %dma_start3A_209, %dma_start3A_210] : memref<26x32x16384xf32, #tpu.memory_space<hbm>> -> memref<1x32x16384xf32, #tpu.memory_space<hbm>>
      %dma_start3A_212 = tpu.memref_squeeze %dma_start3A_211 : memref<1x32x16384xf32, #tpu.memory_space<hbm>> -> memref<32x16384xf32, #tpu.memory_space<hbm>>
      %dma_start3A_213 = arith.constant 12288 : i32
      %dma_start3A_214 = tpu.memref_slice %dma_start3A_212[%add3A, %dma_start3A_213] : memref<32x16384xf32, #tpu.memory_space<hbm>> -> memref<1x4096xf32, #tpu.memory_space<hbm>>
      %dma_start3A_215 = arith.constant 0 : i32
      %dma_start3A_216 = arith.constant 0 : i32
      %dma_start3A_217 = tpu.memref_slice %arg4[%scan3A_69, %dma_start3A_215, %dma_start3A_216] : memref<26x32x16384xf32, #tpu.memory_space<hbm>> -> memref<1x32x16384xf32, #tpu.memory_space<hbm>>
      %dma_start3A_218 = tpu.memref_squeeze %dma_start3A_217 : memref<1x32x16384xf32, #tpu.memory_space<hbm>> -> memref<32x16384xf32, #tpu.memory_space<hbm>>
      %dma_start3A_219 = arith.constant 12288 : i32
      %dma_start3A_220 = tpu.memref_slice %dma_start3A_218[%add3A, %dma_start3A_219] : memref<32x16384xf32, #tpu.memory_space<hbm>> -> memref<1x4096xf32, #tpu.memory_space<hbm>>
      %dma_start3A_221 = arith.constant 1 : i32
      %dma_start3A_222 = arith.constant 0 : i32
      %dma_start3A_223 = tpu.memref_slice %arg7[%dma_start3A_221, %dma_start3A_222] : memref<2x4096xf32, #tpu.memory_space<vmem>> -> memref<1x4096xf32, #tpu.memory_space<vmem>>
      tpu.enqueue_dma source(%dma_start3A_223 : memref<1x4096xf32, #tpu.memory_space<vmem>>) target(%dma_start3A_220 : memref<1x4096xf32, #tpu.memory_space<hbm>>) target_semaphore(%arg13 : memref<!tpu.dma_semaphore, #tpu.memory_space<semaphore_mem>>)
      %lt3A_224 = arith.constant 25 : i32
      %lt3A_225 = arith.cmpi slt, %scan3A_69, %lt3A_224 : i32
      %convert_element_type3A_226 = arith.extui %lt3A_225 : i1 to i32
      %cond3A_227 = arith.constant 0 : i32
      %cond3A_228 = arith.cmpi ne, %convert_element_type3A_226, %cond3A_227 : i32
      scf.if %cond3A_228 {
        %add3A_243 = arith.constant 1 : i32
        %add3A_244 = arith.addi %scan3A_69, %add3A_243 : i32
        %dma_start3A_245 = arith.constant 0 : i32
        %dma_start3A_246 = arith.constant 0 : i32
        %dma_start3A_247 = tpu.memref_slice %arg3[%add3A_244, %dma_start3A_245, %dma_start3A_246] : memref<26x32x100001xf32, #tpu.memory_space<hbm>> -> memref<1x32x100001xf32, #tpu.memory_space<hbm>>
        %dma_start3A_248 = tpu.memref_squeeze %dma_start3A_247 : memref<1x32x100001xf32, #tpu.memory_space<hbm>> -> memref<32x100001xf32, #tpu.memory_space<hbm>>
        %dma_start3A_249 = arith.constant 0 : i32
        %dma_start3A_250 = tpu.memref_slice %dma_start3A_248[%add3A, %dma_start3A_249] : memref<32x100001xf32, #tpu.memory_space<hbm>> -> memref<1x100001xf32, #tpu.memory_space<hbm>>
        %dma_start3A_251 = tpu.memref_squeeze %dma_start3A_250 : memref<1x100001xf32, #tpu.memory_space<hbm>> -> memref<100001xf32, #tpu.memory_space<hbm>>
        %dma_start3A_252 = arith.constant 0 : i32
        %dma_start3A_253 = arith.constant 0 : i32
        %dma_start3A_254 = tpu.memref_slice %arg3[%add3A_244, %dma_start3A_252, %dma_start3A_253] : memref<26x32x100001xf32, #tpu.memory_space<hbm>> -> memref<1x32x100001xf32, #tpu.memory_space<hbm>>
        %dma_start3A_255 = tpu.memref_squeeze %dma_start3A_254 : memref<1x32x100001xf32, #tpu.memory_space<hbm>> -> memref<32x100001xf32, #tpu.memory_space<hbm>>
        %dma_start3A_256 = arith.constant 0 : i32
        %dma_start3A_257 = tpu.memref_slice %dma_start3A_255[%add3A, %dma_start3A_256] : memref<32x100001xf32, #tpu.memory_space<hbm>> -> memref<1x100001xf32, #tpu.memory_space<hbm>>
        %dma_start3A_258 = tpu.memref_squeeze %dma_start3A_257 : memref<1x100001xf32, #tpu.memory_space<hbm>> -> memref<100001xf32, #tpu.memory_space<hbm>>
        tpu.enqueue_dma source(%dma_start3A_258 : memref<100001xf32, #tpu.memory_space<hbm>>) target(%arg5 : memref<100001xf32, #tpu.memory_space<vmem>>) target_semaphore(%arg9 : memref<!tpu.dma_semaphore, #tpu.memory_space<semaphore_mem>>)
      } else {
      }
      %eq3A_229 = arith.constant 0 : i32
      %eq3A_230 = arith.cmpi eq, %arg1, %eq3A_229 : i32
      %lt3A_231 = arith.constant 24 : i32
      %lt3A_232 = arith.cmpi slt, %scan3A_69, %lt3A_231 : i32
      %and3A_233 = arith.andi %eq3A_230, %lt3A_232 : i1
      %convert_element_type3A_234 = arith.extui %and3A_233 : i1 to i32
      %cond3A_235 = arith.constant 0 : i32
      %cond3A_236 = arith.cmpi ne, %convert_element_type3A_234, %cond3A_235 : i32
      scf.if %cond3A_236 {
        %add3A_243 = arith.constant 2 : i32
        %add3A_244 = arith.addi %scan3A_69, %add3A_243 : i32
        %dma_wait3A_245 = arith.constant 0 : i32
        %dma_wait3A_246 = tpu.memref_slice %arg8[%rem3A_70, %dma_wait3A_245] : memref<2x16384xi32, #tpu.memory_space<vmem_shared>> -> memref<1x16384xi32, #tpu.memory_space<vmem_shared>>
        %dma_wait3A_247 = arith.constant 0 : i32
        %dma_wait3A_248 = tpu.memref_slice %arg2[%add3A_244, %dma_wait3A_247] : memref<26x16384xi32, #tpu.memory_space<hbm>> -> memref<1x16384xi32, #tpu.memory_space<hbm>>
        tpu.wait_dma2 semaphore(%arg11 : memref<!tpu.dma_semaphore, #tpu.memory_space<semaphore_mem>>) src(%dma_wait3A_248 : memref<1x16384xi32, #tpu.memory_space<hbm>>) dst(%dma_wait3A_246 : memref<1x16384xi32, #tpu.memory_space<vmem_shared>>)
      } else {
      }
      %barrier3A_237 = arith.constant 0 : index
      tpu.barrier barrier_id(%barrier3A_237)
      %lt3A_238 = arith.constant 25 : i32
      %lt3A_239 = arith.cmpi slt, %scan3A_69, %lt3A_238 : i32
      %convert_element_type3A_240 = arith.extui %lt3A_239 : i1 to i32
      %cond3A_241 = arith.constant 0 : i32
      %cond3A_242 = arith.cmpi ne, %convert_element_type3A_240, %cond3A_241 : i32
      scf.if %cond3A_242 {
        %add3A_243 = arith.constant 1 : i32
        %add3A_244 = arith.addi %scan3A_69, %add3A_243 : i32
        %rem3A_245 = arith.constant 2 : i32
        %rem3A_246 = arith.remsi %add3A_244, %rem3A_245 : i32
        %dma_start3A_247 = arith.constant 0 : i32
        %dma_start3A_248 = tpu.memref_slice %arg8[%rem3A_246, %dma_start3A_247] : memref<2x16384xi32, #tpu.memory_space<vmem_shared>> -> memref<1x16384xi32, #tpu.memory_space<vmem_shared>>
        %dma_start3A_249 = arith.constant 0 : i32
        %dma_start3A_250 = tpu.memref_slice %arg8[%rem3A_246, %dma_start3A_249] : memref<2x16384xi32, #tpu.memory_space<vmem_shared>> -> memref<1x16384xi32, #tpu.memory_space<vmem_shared>>
        tpu.enqueue_dma source(%dma_start3A_250 : memref<1x16384xi32, #tpu.memory_space<vmem_shared>>) target(%arg6 : memref<1x16384xi32, #tpu.memory_space<vmem>>) target_semaphore(%arg10 : memref<!tpu.dma_semaphore, #tpu.memory_space<semaphore_mem>>)
      } else {
      }
    }
    %scan3A_27 = arith.constant 26 : i32
    %dma_wait3A = arith.constant 0 : i32
    %dma_wait3A_28 = arith.constant 0 : i32
    %dma_wait3A_29 = arith.constant 0 : i32
    %dma_wait3A_30 = tpu.memref_slice %arg7[%dma_wait3A_28, %dma_wait3A_29] : memref<2x4096xf32, #tpu.memory_space<vmem>> -> memref<1x4096xf32, #tpu.memory_space<vmem>>
    %dma_wait3A_31 = arith.constant 0 : i32
    %dma_wait3A_32 = arith.constant 0 : i32
    %dma_wait3A_33 = tpu.memref_slice %arg4[%dma_wait3A, %dma_wait3A_31, %dma_wait3A_32] : memref<26x32x16384xf32, #tpu.memory_space<hbm>> -> memref<1x32x16384xf32, #tpu.memory_space<hbm>>
    %dma_wait3A_34 = tpu.memref_squeeze %dma_wait3A_33 : memref<1x32x16384xf32, #tpu.memory_space<hbm>> -> memref<32x16384xf32, #tpu.memory_space<hbm>>
    %dma_wait3A_35 = arith.constant 0 : i32
    %dma_wait3A_36 = arith.constant 0 : i32
    %dma_wait3A_37 = tpu.memref_slice %dma_wait3A_34[%dma_wait3A_35, %dma_wait3A_36] : memref<32x16384xf32, #tpu.memory_space<hbm>> -> memref<1x4096xf32, #tpu.memory_space<hbm>>
    %dma_wait3A_38 = arith.constant 0 : i32
    %dma_wait3A_39 = arith.constant 0 : i32
    %dma_wait3A_40 = tpu.memref_slice %arg4[%dma_wait3A, %dma_wait3A_38, %dma_wait3A_39] : memref<26x32x16384xf32, #tpu.memory_space<hbm>> -> memref<1x32x16384xf32, #tpu.memory_space<hbm>>
    %dma_wait3A_41 = tpu.memref_squeeze %dma_wait3A_40 : memref<1x32x16384xf32, #tpu.memory_space<hbm>> -> memref<32x16384xf32, #tpu.memory_space<hbm>>
    %dma_wait3A_42 = arith.constant 0 : i32
    %dma_wait3A_43 = arith.constant 0 : i32
    %dma_wait3A_44 = tpu.memref_slice %dma_wait3A_41[%dma_wait3A_42, %dma_wait3A_43] : memref<32x16384xf32, #tpu.memory_space<hbm>> -> memref<1x4096xf32, #tpu.memory_space<hbm>>
    %dma_wait3A_45 = arith.constant 0 : i32
    %dma_wait3A_46 = arith.constant 0 : i32
    %dma_wait3A_47 = tpu.memref_slice %arg7[%dma_wait3A_45, %dma_wait3A_46] : memref<2x4096xf32, #tpu.memory_space<vmem>> -> memref<1x4096xf32, #tpu.memory_space<vmem>>
    tpu.wait_dma2 semaphore(%arg12 : memref<!tpu.dma_semaphore, #tpu.memory_space<semaphore_mem>>) src(%dma_wait3A_47 : memref<1x4096xf32, #tpu.memory_space<vmem>>) dst(%dma_wait3A_44 : memref<1x4096xf32, #tpu.memory_space<hbm>>)
    %dma_wait3A_48 = arith.constant 0 : i32
    %dma_wait3A_49 = arith.constant 1 : i32
    %dma_wait3A_50 = arith.constant 0 : i32
    %dma_wait3A_51 = tpu.memref_slice %arg7[%dma_wait3A_49, %dma_wait3A_50] : memref<2x4096xf32, #tpu.memory_space<vmem>> -> memref<1x4096xf32, #tpu.memory_space<vmem>>
    %dma_wait3A_52 = arith.constant 0 : i32
    %dma_wait3A_53 = arith.constant 0 : i32
    %dma_wait3A_54 = tpu.memref_slice %arg4[%dma_wait3A_48, %dma_wait3A_52, %dma_wait3A_53] : memref<26x32x16384xf32, #tpu.memory_space<hbm>> -> memref<1x32x16384xf32, #tpu.memory_space<hbm>>
    %dma_wait3A_55 = tpu.memref_squeeze %dma_wait3A_54 : memref<1x32x16384xf32, #tpu.memory_space<hbm>> -> memref<32x16384xf32, #tpu.memory_space<hbm>>
    %dma_wait3A_56 = arith.constant 0 : i32
    %dma_wait3A_57 = arith.constant 0 : i32
    %dma_wait3A_58 = tpu.memref_slice %dma_wait3A_55[%dma_wait3A_56, %dma_wait3A_57] : memref<32x16384xf32, #tpu.memory_space<hbm>> -> memref<1x4096xf32, #tpu.memory_space<hbm>>
    %dma_wait3A_59 = arith.constant 0 : i32
    %dma_wait3A_60 = arith.constant 0 : i32
    %dma_wait3A_61 = tpu.memref_slice %arg4[%dma_wait3A_48, %dma_wait3A_59, %dma_wait3A_60] : memref<26x32x16384xf32, #tpu.memory_space<hbm>> -> memref<1x32x16384xf32, #tpu.memory_space<hbm>>
    %dma_wait3A_62 = tpu.memref_squeeze %dma_wait3A_61 : memref<1x32x16384xf32, #tpu.memory_space<hbm>> -> memref<32x16384xf32, #tpu.memory_space<hbm>>
    %dma_wait3A_63 = arith.constant 0 : i32
    %dma_wait3A_64 = arith.constant 0 : i32
    %dma_wait3A_65 = tpu.memref_slice %dma_wait3A_62[%dma_wait3A_63, %dma_wait3A_64] : memref<32x16384xf32, #tpu.memory_space<hbm>> -> memref<1x4096xf32, #tpu.memory_space<hbm>>
    %dma_wait3A_66 = arith.constant 1 : i32
    %dma_wait3A_67 = arith.constant 0 : i32
    %dma_wait3A_68 = tpu.memref_slice %arg7[%dma_wait3A_66, %dma_wait3A_67] : memref<2x4096xf32, #tpu.memory_space<vmem>> -> memref<1x4096xf32, #tpu.memory_space<vmem>>
    tpu.wait_dma2 semaphore(%arg13 : memref<!tpu.dma_semaphore, #tpu.memory_space<semaphore_mem>>) src(%dma_wait3A_68 : memref<1x4096xf32, #tpu.memory_space<vmem>>) dst(%dma_wait3A_65 : memref<1x4096xf32, #tpu.memory_space<hbm>>)
    return
  }
}

</mosaic_0001>

<sc_bundles>
// kernel: kernel.3.cloned.1.call-start
scs
__scs_entry_jumppad:
0x0: {  	(pc) =	sbr.rel $0x88, $3  }
0x1: {  	(tag) =	ssettag $0x0;
	lr =	simm.s32 $0x1  }
0x2: {  	[smem:$0x3F9F] =	sst lr;
	_ =	strace $0xD0000000  }
0x3: {  	_ = 	snop  }
0x4: {  	_ = 	snop  }
0x5: {  	_ = 	snop  }
0x6: {  	_ = 	snop  }
0x7: {  	_ = 	snop  }
__scs_overlays_trampoline_lowered:
0x8: {  	[smem:$0x3FAE] =	sst s0  }
0x9: {  	[smem:$0x3FAF] =	sst s1  }
0xa: {  	[smem:$0x3FB0] =	sst s2  }
0xb: {  	[smem:$0x3FB1] =	sst s3  }
0xc: {  	[smem:$0x3FB2] =	sst s4  }
0xd: {  	[smem:$0x3FB3] =	sst s5  }
0xe: {  	[smem:$0x3FB4] =	sst s6  }
0xf: {  	[smem:$0x3FB5] =	sst s7  }
0x10: {  	[smem:$0x3FB6] =	sst s8  }
0x11: {  	[smem:$0x3FB7] =	sst s9;
	s0 =	simm.s32 @!p0 $0x0  }
0x12: {  	s1 =	sld [smem:$0x3F9D];
	s0 =	simm.s32 @p0 $0x1  }
0x13: {  	[smem:$0x3FB8] =	sst s0;
	s0 =	simm.s32 @!p1 $0x0  }
0x14: {  	s2 =	sld [smem:$0x3F9C];
	s0 =	simm.s32 @p1 $0x1  }
0x15: {  	[smem:$0x3FB9] =	sst s0;
	s0 =	simm.s32 @!p2 $0x0  }
0x16: {  	s3 =	sld [smem:$0x3FDB];
	s0 =	simm.s32 @p2 $0x1  }
0x17: {  	s4 =	simm.s32 $0x1BF5;
	[smem:$0x3FBB] =	sst s0  }
0x18: {  	s0 =	sld [smem:$0x3F9E];
	_ =	swait.ge [sflag:s4], $0x0  }
0x19: {  	s7 =	sld [smem:$0x3F9F]  }
0x1a: {  	s8 =	sadd.s32 $0xFFFFE003, lr  }
0x1b: {  	s9 =	sadd.s32 $0xFFFFFEF7, lr;
	s5 =	simm.s32 $0xFFFFFFFF;
	p2 =	slt.u32 s8, $0xFFFFF086  }
0x1c: {  	p1 =	slt.u32 s9, $0xF7A;
	s5 =	simm.s32 @!p2 $0x0  }
0x1d: {  	s5 =	simm.s32 @p1 $0x1;
	p0 =	seq.s32 s7, s2  }
0x1e: {  	s7 =	smul.u32 @!p0 $0xF7A, s2;
	p2 =	seq.s32 @!p0 s5, $0x0  }
0x1f: {  	s9 =	smul.u32 $0xF7A, s1;
	s8 =	simm.s32 @!p0 $0x1BF5;
	p2 =	por !p2, p0  }
0x20: {  	[sflag:s8] =	ssyncset.s32 @!p0 $0xFFFFF086;
	s6 =	sadd.s32 @!p0 s3, s7;
	s7 =	simm.s32 @!p0 $0x108  }
0x21: {  	s3 =	sadd.s32 s3, s9;
	s6 =	sadd.s32 @!p0 $0x88, s6;
	s7 =	simm.s32 @p2 $0x1082  }
0x22: {  	[simem:s7], [sflag:s8] =	dma.local @!p0 [hbm:s6], $0xF7A  }
0x23: {  	s9 =	sor.u32 $0xD0000000, s2;
	s6 =	simm.s32 $0x108;
	_ =	swait.ge @!p0 [sflag:s8], $0x0  }
0x24: {  	s3 =	sadd.s32 $0x88, s3;
	s6 =	simm.s32 @!p1 $0x1082;
	[sflag:s4] =	ssyncset.s32 $0xFFFFF086  }
0x25: {  	[simem:s6], [sflag:s4] =	dma.local [hbm:s3], $0xF7A  }
0x26: {  	[smem:$0x3F9F] =	sst s1;
	(tag) =	ssettag s2;
	_ =	strace s9  }
0x27: {  	s1 =	sld [smem:$0x3FAF]  }
0x28: {  	s2 =	sld [smem:$0x3FB0]  }
0x29: {  	s4 =	sld [smem:$0x3FB2]  }
0x2a: {  	p0 =	seq.s32 s5, $0x0;
	s5 =	sld [smem:$0x3FB3]  }
0x2b: {  	s6 =	sld [smem:$0x3FB4]  }
0x2c: {  	s7 =	sld [smem:$0x3FB5]  }
0x2d: {  	s3 =	simm.s32 $0x108;
	s8 =	sld [smem:$0x3FB6]  }
0x2e: {  	s3 =	simm.s32 @!p0 $0x1082;
	s9 =	sld [smem:$0x3FB7]  }
0x2f: {  	lr =	sadd.s32 s0, s3;
	s0 =	sld [smem:$0x3FAE]  }
0x30: {  	s3 =	sld [smem:$0x3FB1]  }
0x31: {  	[smem:$0x3FBA] =	sst s10  }
0x32: {  	s10 =	sld [smem:$0x3FB8];
	_ =	sdelay $0x3  }
0x33: {  	p0 =	seq.s32 s10, $0x1;
	s10 =	sld [smem:$0x3FBA];
	_ =	sdelay $0x3  }
0x34: {  	[smem:$0x3FBA] =	sst s10  }
0x35: {  	s10 =	sld [smem:$0x3FB9];
	_ =	sdelay $0x3  }
0x36: {  	p1 =	seq.s32 s10, $0x1;
	s10 =	sld [smem:$0x3FBA];
	_ =	sdelay $0x3  }
0x37: {  	[smem:$0x3FBA] =	sst s10  }
0x38: {  	s10 =	sld [smem:$0x3FBB]  }
0x39: {  	_ = 	snop;
	(pc) =	sbr.ind lr, $3  }
0x3a: {  	_ = 	snop  }
0x3b: {  	_ = 	snop  }
0x3c: {  	p2 =	seq.s32 s10, $0x1;
	s10 =	sld [smem:$0x3FBA]  }
0x3d: {  	_ =	shalt  }
0x3e: {  	_ =	shalt  }
0x3f: {  	_ =	shalt  }
0x40: {  	_ =	shalt  }
0x41: {  	_ =	shalt  }
0x42: {  	_ =	shalt  }
0x43: {  	_ =	shalt  }
0x44: {  	_ =	shalt  }
0x45: {  	_ =	shalt  }
0x46: {  	_ =	shalt  }
0x47: {  	_ =	shalt  }
0x48: {  	_ =	shalt  }
0x49: {  	_ =	shalt  }
0x4a: {  	_ =	shalt  }
0x4b: {  	_ =	shalt  }
0x4c: {  	_ =	shalt  }
0x4d: {  	_ =	shalt  }
0x4e: {  	_ =	shalt  }
0x4f: {  	_ =	shalt  }
0x50: {  	_ =	shalt  }
0x51: {  	_ =	shalt  }
0x52: {  	_ =	shalt  }
0x53: {  	_ =	shalt  }
0x54: {  	_ =	shalt  }
0x55: {  	_ =	shalt  }
0x56: {  	_ =	shalt  }
0x57: {  	_ =	shalt  }
0x58: {  	_ =	shalt  }
0x59: {  	_ =	shalt  }
0x5a: {  	_ =	shalt  }
0x5b: {  	_ =	shalt  }
0x5c: {  	_ =	shalt  }
0x5d: {  	_ =	shalt  }
0x5e: {  	_ =	shalt  }
0x5f: {  	_ =	shalt  }
0x60: {  	_ =	shalt  }
0x61: {  	_ =	shalt  }
0x62: {  	_ =	shalt  }
0x63: {  	_ =	shalt  }
0x64: {  	_ =	shalt  }
0x65: {  	_ =	shalt  }
0x66: {  	_ =	shalt  }
0x67: {  	_ =	shalt  }
0x68: {  	_ =	shalt  }
0x69: {  	_ =	shalt  }
0x6a: {  	_ =	shalt  }
0x6b: {  	_ =	shalt  }
0x6c: {  	_ =	shalt  }
0x6d: {  	_ =	shalt  }
0x6e: {  	_ =	shalt  }
0x6f: {  	_ =	shalt  }
0x70: {  	_ =	shalt  }
0x71: {  	_ =	shalt  }
0x72: {  	_ =	shalt  }
0x73: {  	_ =	shalt  }
0x74: {  	_ =	shalt  }
0x75: {  	_ =	shalt  }
0x76: {  	_ =	shalt  }
0x77: {  	_ =	shalt  }
0x78: {  	_ =	shalt  }
0x79: {  	_ =	shalt  }
0x7a: {  	_ =	shalt  }
0x7b: {  	_ =	shalt  }
0x7c: {  	_ =	shalt  }
0x7d: {  	_ =	shalt  }
0x7e: {  	_ =	shalt  }
0x7f: {  	_ =	shalt  }
0x80: {  	_ =	shalt  }
0x81: {  	_ =	shalt  }
0x82: {  	_ =	shalt  }
0x83: {  	_ =	shalt  }
0x84: {  	_ =	shalt  }
0x85: {  	_ =	shalt  }
0x86: {  	_ =	shalt  }
0x87: {  	_ =	shalt  }
.Lfunc_end0:
.L_simem_size_0:
called_computation_lowered:
.L_overlay_start_0:
0x88: {  	s2 =	sld [smem:$0x3FD9]  }
0x89: {  	s3 =	sld [smem:$0x3FFE];
	_ =	sdelay $0x1  }
0x8a: {  	s1 =	srdreg.scid  }
0x8b: {  	s0 =	sand.u32 $0x1, s1  }
0x8c: {  	s18 =	sshll.u32 s0, $0xA;
	s2 =	sadd.s32 s3, s2  }
0x8d: {  	s2 =	sadd.s32 s2, s18  }
0x8e: {  	[smem:$0x3FC6] =	sst s2  }
0x8f: {  	_ = 	snop  }
0x90: {  	s2 =	sld [smem:$0x3FC9]  }
0x91: {  	s19 =	sld [smem:$0x3FC8]  }
0x92: {  	s4 =	sld [smem:$0x3FD0];
	(tm) =	ssettm $0x1  }
0x93: {  	s5 =	sld [smem:$0x3FFB];
	_ =	sdelay $0x3  }
0x94: {  	_ =	strace s5  }
0x95: {  	s5 =	sld [smem:$0x3FFC];
	_ =	sdelay $0x3  }
0x96: {  	_ =	strace s5  }
0x97: {  	s5 =	sld [smem:$0x3FFD];
	_ =	sdelay $0x3  }
0x98: {  	_ =	strace s5  }
0x99: {  	_ =	strace $0x8FFFFFFF  }
0x9a: {  	s20 =	sld [smem:$0x3FDB];
	_ =	sdelay $0x1  }
0x9b: {  	s6 =	simm.s32 $_scs_section_size  }
0x9c: {  	s7 =	simm.s32 $_size__tile_overlayer_lowered;
	s8 =	simm.s32 $_tile_overlayer_lowered  }
0x9d: {  	s23 =	simm.s32 $0x1BFF;
	s22 =	sshll.u32 s8, $0x1;
	s5 =	sadd.s32 s6, s20  }
0x9e: {  	s9 =	simm.s32 $0x0;
	s21 =	sshll.u32 s7, $0x1;
	s7 =	sadd.s32 s22, s5  }
0x9f: {  	[timem:s9], [sflag:s23] =	dma.local [hbm:s7], s21  }
0xa0: {  	_ =	swait.ge [sflag:s23], s21  }
0xa1: {  	s6 =	ssub.s32 $0x0, s21;
	[sflag:s23] =	ssyncset.done $0x0  }
0xa2: {  	[sflag:s23] =	ssyncadd.s32 s6;
	_ =	sdelay $0x1  }
0xa3: {  	s24 =	simm.s32 $0x1B8B  }
0xa4: {  	_ =	swait.ge [sflag:s24], $0x1  }
0xa5: {  	[sflag:s24] =	ssyncset.done $0x0  }
0xa6: {  	s25 =	simm.s32 $0x1B8E;
	[sflag:s24] =	ssyncadd.s32 $0xFFFFFFFF  }
0xa7: {  	s26 =	simm.s32 $execute0_lowered;
	[smem:$0x3FD2] =	sst s25  }
0xa8: {  	s6 =	sshll.u32 s26, $0x1;
	_ =	strace $0x80000046;
	[dreg:$0x1] =	wrdreg $0xFFFFFFFF  }
0xa9: {  	s28 =	simm.s32 $_size_execute0_lowered;
	s5 =	sadd.s32 s5, s6;
	[dreg:$0x0] =	wrdreg $0x0  }
0xaa: {  	s6 =	sshll.u32 s28, $0x1;
	[dreg:$0x2] =	wrdreg s5  }
0xab: {  	[dreg:$0x3] =	wrdreg s6  }
0xac: {  	[dreg:$0x4] =	wrdreg $0xC0  }
0xad: {  	_ =	task [dreg:s9], $0x5FFFF  }
0xae: {  	[dreg:$0x1] =	wrdreg $0xFFFFFFFF  }
0xaf: {  	[dreg:$0x0] =	wrdreg $0x60  }
0xb0: {  	[dreg:$0x2] =	wrdreg s2  }
0xb1: {  	[dreg:$0x3] =	wrdreg s19  }
0xb2: {  	[dreg:$0x4] =	wrdreg s4  }
0xb3: {  	[dreg:$0x5] =	wrdreg $0x1E7000  }
0xb4: {  	[dreg:$0x6] =	wrdreg $0x9  }
0xb5: {  	_ =	task.clear_ibuf [dreg:s9], $0x7FFFF;
	_ =	strace $0x90000046  }
0xb6: {  	s29 =	simm.s32 $0x9;
	_ =	strace $0x80000048  }
0xb7: {  	_ =	swait.ge [sflag:s29], $0x1  }
0xb8: {  	[sflag:s29] =	ssyncadd.s32 $0xFFFFFFFF  }
0xb9: {  	_ =	strace $0x90000048  }
0xba: {  	_ =	sfence  }
0xbb: {  	s30 =	sld [smem:$0x0];
	_ =	sdelay $0x2  }
0xbc: {  	s31 =	sshll.u32 s1, $0xD;
	s1 =	sshrl.u32 s1, $0x2  }
0xbd: {  	s3 =	sand.u32 $0x4000, s31;
	s1 =	sadd.s32 s1, s30  }
0xbe: {  	s0 =	sor.u32 s3, s0;
	s1 =	sshll.u32 s1, $0x11  }
0xbf: {  	s0 =	sor.u32 s1, s0  }
0xc0: {  	s0 =	sadd.s32 $0x8F2B, s0  }
0xc1: {  	[sflag:s0] =	ssyncadd.remote.s32 $0x1  }
0xc2: {  	_ =	sfence.sel $0xFFFF  }
0xc3: {  	[dreg:$0x0] =	wrdreg $0xFFFFFFFF;
	(pc) =	sbr.abs _section_cstart, $3  }
0xc4: {  	[dreg:$0x1] =	wrdreg $0xFFFFFFFF  }
0xc5: {  	_ =	task.clear_ibuf [dreg:s9], $0x2FFFF;
	_ =	strace $0x9FFFFFFF  }
0xc6: {  	(tm) =	ssettm $0x7FFFFFFF  }
0xc7: {  	_ =	shalt  }
tec
execute0_lowered:
.L_overlay_start_1:
0x0: {  	(tag) =	ssettag $0x1  }
0x1: {  	s1 =	rddreg [dreg:$0x0]  }
0x2: {  	s2 =	rddreg [dreg:$0x1]  }
0x3: {  	s3 =	rddreg [dreg:$0x2]  }
0x4: {  	s4 =	rddreg [dreg:$0x3]  }
0x5: {  	s5 =	simm.s32 $0x0;
	s0 =	srdreg.scid;
	s6 =	stileid.u32  }
0x6: {  	s16 =	simm.s32 $0x80;
	s17 =	simm.s32 $0x400;
	s18 =	simm.s32 $0x100  }
0x7: {  	s19 =	simm.s32 $0x18700;
	s20 =	simm.s32 $0x2;
	s21 =	simm.s32 $0x1  }
0x8: {  	s22 =	simm.s32 $0x4;
	s23 =	simm.s32 $0x5;
	s24 =	simm.s32 $0x0  }
0x9: {  	[smem:$0x7FF] =	sst s5;
	s0 =	sand.u32 $0x1, s0;
	s9 =	sshrl.u32 s6, $0x2  }
0xa: {  	s10 =	sshll.u32 s6, $0x8;
	s30 =	sadd.s32 $0x10, s1;
	s15 =	sadd.s32 $0x80, s4  }
0xb: {  	p0 =	sne.s32 s6, $0x0;
	p1 =	seq.s32 s6, $0x0;
	_ =	strace $0x80000047  }
0xc: {  	s7 =	ssub.s32 $0x2, s0;
	s0 =	sshll.u32 s0, $0x7;
	s10 =	sand.u32 $0x300, s10  }
0xd: {  	s11 =	smul.u32 $0xC3800, s9;
	s29 =	sshll.u32 s9, $0x11;
	[dreg:$0x5] =	wrdreg s30  }
.Ltmp0:
0xe: {  	s14 =	sshrl.u32 @!p0 s4, $0x3;
	s0 =	sor.u32 s0, s10;
	(pc) =	sbr.rel .LBB2_1-.Ltmp0, $4  }
0xf: {  	s15 =	sshrl.u32 @!p0 s15, $0x3;
	s8 =	sshrl.u32 s7, $0x1;
	s31 =	sor.u32 s11, s0  }
0x10: {  	s13 =	ssub.s32 s7, s8;
	s0 =	sor.u32 s29, s0;
	s7 =	sshrl.u32 s31, $0x3  }
0x11: {  	s8 =	sshrl.u32 s0, $0x3;
	s13 =	smax.u32 s13, $0x1;
	s9 =	sadd.s32 s2, s7  }
0x12: {  	s10 =	sor.u32 $0x1000, s8;
	s11 =	sor.u32 $0x2000, s8;
	s12 =	sor.u32 $0x3000, s8  }
.LBB2_20:
0x13: {  	[bflag:$0x0] =	sbarrier.arrive $0xFFFF;
	s24 =	sadd.s32 $0x1, s24  }
0x14: {  	_ =	swait.ge [sflag:s22], $0x1000;
	p2 =	sne.s32 s24, s13  }
.Ltmp1:
0x15: {  	[sflag:s22] =	ssyncset.done $0x0;
	(pc) =	sbr.rel @!p2 .LBB2_21-.Ltmp1, $4  }
0x16: {  	[sflag:s22] =	ssyncadd.s32 $0xFFFFF000  }
0x17: {  	_ =	swait.ge [sflag:s23], $0x1000  }
0x18: {  	[sflag:s23] =	ssyncset.done $0x0  }
0x19: {  	[sflag:s23] =	ssyncadd.s32 $0xFFFFF000  }
.LBB2_1:
0x1a: {  	s0 =	simm.s32 @!p0 $0x1;
	s6 =	simm.s32 @!p0 $0x20  }
0x1b: {  	s25 =	simm.s32 @!p0 $0x80;
	s26 =	simm.s32 @!p0 $0x1C06;
	s28 =	simm.s32 @!p0 $0x6  }
0x1c: {  	[spmem:s14@s6], [sflag:s26] =	dma.strided @!p0 [hbm:s1@s25], $0x800, s0, $0x10   }
0x1d: {  	_ =	swait.ge @!p0 [sflag:s28], $0x800  }
0x1e: {  	[sflag:s28] =	ssyncset.done @!p0 $0x0  }
0x1f: {  	s29 =	rddreg [dreg:$0x5];
	[sflag:s28] =	ssyncadd.s32 @!p0 $0xFFFFF800  }
0x20: {  	[spmem:s15@s6], [sflag:s26] =	dma.strided @!p0 [hbm:s29@s25], $0x800, s0, $0x10   }
0x21: {  	_ =	swait.ge @!p0 [sflag:s28], $0x800  }
0x22: {  	[sflag:s28] =	ssyncset.done @!p0 $0x0  }
0x23: {  	[sflag:s28] =	ssyncadd.s32 @!p0 $0xFFFFF800  }
0x24: {  	[bflag:$0x0] =	sbarrier.arrive $0xFFFF  }
0x25: {  	[tilespmem:s5], [sflag:$0x1] =	stream.strided.gather [hbm4b:s9+s16], $0x18700, s17, s16, $0x38;
	[tilespmem:$0x1EF00] =	vst v63  }
0x26: {  	s25 =	simm.s32 $0x0  }
0x27: {  	[tilespmem:s19], [sflag:$0x2] =	stream.strided.gather [spmem:s4], $0x4000, s18, s16, $0x38;
	[tilespmem:$0x1EF00] =	vst v63  }
.LBB2_2:
0x28: {  	p2 =	slt.u32 s25, $0x18;
	_ =	swait.ge [sflag:s20], $0x4000  }
0x29: {  	p2 =	por !p1, !p2;
	[sflag:s20] =	ssyncset.done $0x0  }
0x2a: {  	s0 =	sshll.u32 s25, $0x7;
	p2 =	por !p2, !p2;
	[sflag:s20] =	ssyncadd.s32 $0xFFFFC000  }
0x2b: {  	s26 =	sand.u32 $0x80, s0;
	s6 =	sadd.s32 @p2 $0x2, s25;
	[bflag:$0x0] =	sbarrier.arrive $0xFFFF  }
0x2c: {  	s28 =	sadd.s32 @p2 s26, s4;
	s29 =	simm.s32 @p2 $0x20;
	s0 =	sshll.u32 @p2 s6, $0x4  }
0x2d: {  	s30 =	simm.s32 @p2 $0x80;
	s6 =	sshll.u32 @p2 s6, $0xB;
	s0 =	sand.u32 @p2 $0x70, s0  }
0x2e: {  	s31 =	simm.s32 @p2 $0x1C03;
	s6 =	sand.u32 @p2 $0x1C000, s6;
	s0 =	sadd.s32 @p2 s1, s0  }
0x2f: {  	s0 =	sadd.s32 @p2 s6, s0;
	s6 =	sshrl.u32 @p2 s28, $0x3;
	s28 =	simm.s32 @p2 $0x1  }
0x30: {  	[spmem:s6@s29], [sflag:s31] =	dma.strided @p2 [hbm:s0@s30], $0x800, s28, $0x10   }
0x31: {  	_ =	swait.ge [sflag:s21], $0x18700  }
0x32: {  	p3 =	seq.s32 s25, $0x0;
	[sflag:s21] =	ssyncset.done $0x0  }
0x33: {  	s0 =	simm.s32 @!p3 $0x4;
	[sflag:s21] =	ssyncadd.s32 $0xFFFE7900  }
0x34: {  	_ =	swait.ge @!p3 [sflag:s0], $0x1000  }
0x35: {  	[sflag:s0] =	ssyncset.done @!p3 $0x0  }
0x36: {  	s31 =	simm.s32 $0x18780;
	[sflag:s0] =	ssyncadd.s32 @!p3 $0xFFFFF000  }
0x37: {  	v0 =	vld [tilespmem:s31+$0x70]  }
0x38: {  	v1 =	vld [tilespmem:s31+$0xFFFFFF90]  }
0x39: {  	v2 =	vld [tilespmem:s31+$0xFFFFFFA0]  }
0x3a: {  	v3 =	vld [tilespmem:s31+$0xFFFFFFB0]  }
0x3b: {  	v4 =	vld [tilespmem:s31+$0xFFFFFFC0]  }
0x3c: {  	v5 =	vld [tilespmem:s31+$0xFFFFFFD0]  }
0x3d: {  	v6 =	vld [tilespmem:s31+$0xFFFFFFE0]  }
0x3e: {  	v7 =	vld [tilespmem:s31+$0xFFFFFFF0]  }
0x3f: {  	v8 =	vld [tilespmem:s31+$0x0]  }
0x40: {  	v9 =	vld [tilespmem:s31+$0x10]  }
0x41: {  	v10 =	vld [tilespmem:s31+$0x20]  }
0x42: {  	v11 =	vld [tilespmem:s31+$0x30]  }
0x43: {  	v12 =	vld [tilespmem:s31+$0x40]  }
0x44: {  	v13 =	vld [tilespmem:s31+$0x50]  }
0x45: {  	v14 =	vld [tilespmem:s31+$0x60]  }
0x46: {  	v15 =	vld [tilespmem:s31+$0xFFFFFF80]  }
0x47: {  	v0 =	vld.idx.msk [tilespmem:v0+s5+$0x0], $0xffff  }
0x48: {  	v1 =	vld.idx.msk [tilespmem:v1+s5+$0x0], $0xffff  }
0x49: {  	v2 =	vld.idx.msk [tilespmem:v2+s5+$0x0], $0xffff  }
0x4a: {  	v3 =	vld.idx.msk [tilespmem:v3+s5+$0x0], $0xffff  }
0x4b: {  	v4 =	vld.idx.msk [tilespmem:v4+s5+$0x0], $0xffff  }
0x4c: {  	s29 =	simm.s32 $0x1C800;
	v5 =	vld.idx.msk [tilespmem:v5+s5+$0x0], $0xffff  }
0x4d: {  	v6 =	vld.idx.msk [tilespmem:v6+s5+$0x0], $0xffff;
	[tilespmem:s29+$0x70] =	vst v0  }
0x4e: {  	v7 =	vld.idx.msk [tilespmem:v7+s5+$0x0], $0xffff;
	[tilespmem:s29+$0xFFFFFF10] =	vst v1  }
0x4f: {  	v15 =	vld.idx.msk [tilespmem:v15+s5+$0x0], $0xffff;
	[tilespmem:s29+$0xFFFFFF20] =	vst v2  }
0x50: {  	v8 =	vld.idx.msk [tilespmem:v8+s5+$0x0], $0xffff;
	[tilespmem:s29+$0xFFFFFF30] =	vst v3  }
0x51: {  	[tilespmem:s29+$0xFFFFFF40] =	vst v4;
	v0 =	vld.idx.msk [tilespmem:v9+s5+$0x0], $0xffff  }
0x52: {  	[tilespmem:s29+$0xFFFFFF50] =	vst v5;
	v1 =	vld.idx.msk [tilespmem:v10+s5+$0x0], $0xffff  }
0x53: {  	[tilespmem:s29+$0xFFFFFF60] =	vst v6;
	v2 =	vld.idx.msk [tilespmem:v11+s5+$0x0], $0xffff  }
0x54: {  	[tilespmem:s29+$0xFFFFFF70] =	vst v7;
	v3 =	vld.idx.msk [tilespmem:v12+s5+$0x0], $0xffff  }
0x55: {  	[tilespmem:s29+$0xFFFFFF00] =	vst v15;
	v4 =	vld.idx.msk [tilespmem:v13+s5+$0x0], $0xffff  }
0x56: {  	s28 =	simm.s32 $0x0;
	s30 =	simm.s32 $0x18880;
	[tilespmem:s29+$0x0] =	vst v8;
	v5 =	vld.idx.msk [tilespmem:v14+s5+$0x0], $0xffff  }
.LBB2_3:
0x57: {  	v6 =	vld [tilespmem:s30+$0x70];
	s28 =	sadd.s32 $0x10, s28;
	[tilespmem:s29+$0x10] =	vst v0  }
0x58: {  	v0 =	vld [tilespmem:s30+$0xFFFFFF90];
	p4 =	slt.u32 s28, $0xF0;
	[tilespmem:s29+$0x20] =	vst v1  }
0x59: {  	v1 =	vld [tilespmem:s30+$0xFFFFFFA0];
	[tilespmem:s29+$0x30] =	vst v2  }
0x5a: {  	v2 =	vld [tilespmem:s30+$0xFFFFFFB0];
	[tilespmem:s29+$0x40] =	vst v3  }
0x5b: {  	v3 =	vld [tilespmem:s30+$0xFFFFFFC0];
	[tilespmem:s29+$0x50] =	vst v4  }
0x5c: {  	v4 =	vld [tilespmem:s30+$0xFFFFFFD0];
	[tilespmem:s29+$0x60] =	vst v5  }
0x5d: {  	v5 =	vld [tilespmem:s30+$0xFFFFFFE0]  }
0x5e: {  	v7 =	vld [tilespmem:s30+$0xFFFFFFF0]  }
0x5f: {  	v6 =	vld.idx.msk [tilespmem:v6+s5+$0x0], $0xffff  }
0x60: {  	v8 =	vld [tilespmem:s30+$0x0]  }
0x61: {  	v9 =	vld [tilespmem:s30+$0x10]  }
0x62: {  	v10 =	vld [tilespmem:s30+$0x20]  }
0x63: {  	v11 =	vld [tilespmem:s30+$0x30]  }
0x64: {  	s29 =	sadd.s32 $0x200, s29;
	v12 =	vld [tilespmem:s30+$0x40]  }
0x65: {  	v13 =	vld [tilespmem:s30+$0x50];
	[tilespmem:s29+$0x70] =	vst v6  }
0x66: {  	v6 =	vld [tilespmem:s30+$0x60]  }
0x67: {  	v14 =	vld [tilespmem:s30+$0xFFFFFF80]  }
0x68: {  	v0 =	vld.idx.msk [tilespmem:v0+s5+$0x0], $0xffff  }
0x69: {  	v1 =	vld.idx.msk [tilespmem:v1+s5+$0x0], $0xffff  }
0x6a: {  	v2 =	vld.idx.msk [tilespmem:v2+s5+$0x0], $0xffff  }
0x6b: {  	v3 =	vld.idx.msk [tilespmem:v3+s5+$0x0], $0xffff  }
0x6c: {  	v4 =	vld.idx.msk [tilespmem:v4+s5+$0x0], $0xffff  }
0x6d: {  	v5 =	vld.idx.msk [tilespmem:v5+s5+$0x0], $0xffff  }
0x6e: {  	[tilespmem:s29+$0xFFFFFF10] =	vst v0;
	v7 =	vld.idx.msk [tilespmem:v7+s5+$0x0], $0xffff  }
0x6f: {  	v14 =	vld.idx.msk [tilespmem:v14+s5+$0x0], $0xffff;
	[tilespmem:s29+$0xFFFFFF20] =	vst v1  }
0x70: {  	[tilespmem:s29+$0xFFFFFF30] =	vst v2;
	v8 =	vld.idx.msk [tilespmem:v8+s5+$0x0], $0xffff  }
0x71: {  	[tilespmem:s29+$0xFFFFFF40] =	vst v3;
	v0 =	vld.idx.msk [tilespmem:v9+s5+$0x0], $0xffff  }
.Ltmp2:
0x72: {  	[tilespmem:s29+$0xFFFFFF50] =	vst v4;
	v1 =	vld.idx.msk [tilespmem:v10+s5+$0x0], $0xffff;
	(pc) =	sbr.rel @p4 .LBB2_3-.Ltmp2, $4  }
0x73: {  	[tilespmem:s29+$0xFFFFFF60] =	vst v5;
	v2 =	vld.idx.msk [tilespmem:v11+s5+$0x0], $0xffff  }
0x74: {  	[tilespmem:s29+$0xFFFFFF70] =	vst v7;
	v3 =	vld.idx.msk [tilespmem:v12+s5+$0x0], $0xffff  }
0x75: {  	[tilespmem:s29+$0xFFFFFF00] =	vst v14;
	v4 =	vld.idx.msk [tilespmem:v13+s5+$0x0], $0xffff  }
0x76: {  	s30 =	sadd.s32 $0x100, s30;
	[tilespmem:s29+$0x0] =	vst v8;
	v5 =	vld.idx.msk [tilespmem:v6+s5+$0x0], $0xffff  }
0x77: {  	[tilespmem:s29+$0x10] =	vst v0  }
0x78: {  	[tilespmem:s29+$0x20] =	vst v1  }
0x79: {  	s0 =	sshll.u32 s25, $0x10;
	[tilespmem:s29+$0x30] =	vst v2  }
0x7a: {  	s28 =	sadd.s32 s3, s0;
	[tilespmem:s29+$0x40] =	vst v3  }
0x7b: {  	s31 =	simm.s32 $0x1C700;
	s30 =	sadd.s32 s8, s28;
	[tilespmem:s29+$0x50] =	vst v4  }
0x7c: {  	s0 =	simm.s32 $0x1C800;
	s6 =	sadd.s32 $0x0, s30;
	[tilespmem:s29+$0x60] =	vst v5;
	s29 =	simm.s32 $0x80  }
.LBB2_5:
0x7d: {  	[hbm4b:s6+s5] =	stream.linear.scatter [tilespmem:s31], [sflag:$0x4], $0x80, $0x38;
	[tilespmem:$0x1EF00] =	vst v63  }
0x7e: {  	s6 =	smov.u32 s29;
	s31 =	smov.u32 s0;
	p4 =	sne.s32 s29, $0xF80  }
.Ltmp3:
0x7f: {  	s29 =	sadd.s32 $0x80, s29;
	(pc) =	sbr.rel @p4 .LBB2_5-.Ltmp3, $2  }
0x80: {  	_ =	sdelay $0x2  }
0x81: {  	s0 =	sadd.s32 $0x100, s0;
	s6 =	sadd.s32 s6, s30  }
0x82: {  	[hbm4b:s6+s5] =	stream.linear.scatter [tilespmem:s31], [sflag:$0x4], $0x80, $0x38;
	[tilespmem:$0x1EF00] =	vst v63  }
0x83: {  	s0 =	simm.s32 @!p3 $0x5  }
0x84: {  	_ =	swait.ge @!p3 [sflag:s0], $0x1000  }
0x85: {  	[sflag:s0] =	ssyncset.done @!p3 $0x0  }
0x86: {  	s6 =	simm.s32 $0x197F0;
	[sflag:s0] =	ssyncadd.s32 @!p3 $0xFFFFF000  }
0x87: {  	v0 =	vld [tilespmem:s6+$0x0]  }
0x88: {  	v1 =	vld [tilespmem:s6+$0xFFFFFF20]  }
0x89: {  	v2 =	vld [tilespmem:s6+$0xFFFFFF30]  }
0x8a: {  	v3 =	vld [tilespmem:s6+$0xFFFFFF40]  }
0x8b: {  	v4 =	vld [tilespmem:s6+$0xFFFFFF50]  }
0x8c: {  	v5 =	vld [tilespmem:s6+$0xFFFFFF60]  }
0x8d: {  	v6 =	vld [tilespmem:s6+$0xFFFFFF70]  }
0x8e: {  	v7 =	vld [tilespmem:s6+$0xFFFFFF80]  }
0x8f: {  	v8 =	vld [tilespmem:s6+$0xFFFFFF90]  }
0x90: {  	v9 =	vld [tilespmem:s6+$0xFFFFFFA0]  }
0x91: {  	v10 =	vld [tilespmem:s6+$0xFFFFFFB0]  }
0x92: {  	v11 =	vld [tilespmem:s6+$0xFFFFFFC0]  }
0x93: {  	v12 =	vld [tilespmem:s6+$0xFFFFFFD0]  }
0x94: {  	v13 =	vld [tilespmem:s6+$0xFFFFFFE0]  }
0x95: {  	v14 =	vld [tilespmem:s6+$0xFFFFFFF0]  }
0x96: {  	v15 =	vld [tilespmem:s6+$0xFFFFFF10]  }
0x97: {  	v0 =	vld.idx.msk [tilespmem:v0+s5+$0x0], $0xffff  }
0x98: {  	v1 =	vld.idx.msk [tilespmem:v1+s5+$0x0], $0xffff  }
0x99: {  	v2 =	vld.idx.msk [tilespmem:v2+s5+$0x0], $0xffff  }
0x9a: {  	v3 =	vld.idx.msk [tilespmem:v3+s5+$0x0], $0xffff  }
0x9b: {  	v4 =	vld.idx.msk [tilespmem:v4+s5+$0x0], $0xffff  }
0x9c: {  	s29 =	simm.s32 $0x1C880;
	v5 =	vld.idx.msk [tilespmem:v5+s5+$0x0], $0xffff  }
0x9d: {  	v6 =	vld.idx.msk [tilespmem:v6+s5+$0x0], $0xffff;
	[tilespmem:s29+$0x70] =	vst v0  }
0x9e: {  	v7 =	vld.idx.msk [tilespmem:v7+s5+$0x0], $0xffff;
	[tilespmem:s29+$0xFFFFFF10] =	vst v1  }
0x9f: {  	v15 =	vld.idx.msk [tilespmem:v15+s5+$0x0], $0xffff;
	[tilespmem:s29+$0xFFFFFF20] =	vst v2  }
0xa0: {  	v8 =	vld.idx.msk [tilespmem:v8+s5+$0x0], $0xffff;
	[tilespmem:s29+$0xFFFFFF30] =	vst v3  }
0xa1: {  	[tilespmem:s29+$0xFFFFFF40] =	vst v4;
	v0 =	vld.idx.msk [tilespmem:v9+s5+$0x0], $0xffff  }
0xa2: {  	[tilespmem:s29+$0xFFFFFF50] =	vst v5;
	v1 =	vld.idx.msk [tilespmem:v10+s5+$0x0], $0xffff  }
0xa3: {  	[tilespmem:s29+$0xFFFFFF60] =	vst v6;
	v2 =	vld.idx.msk [tilespmem:v11+s5+$0x0], $0xffff  }
0xa4: {  	[tilespmem:s29+$0xFFFFFF70] =	vst v7;
	v3 =	vld.idx.msk [tilespmem:v12+s5+$0x0], $0xffff  }
0xa5: {  	[tilespmem:s29+$0xFFFFFF00] =	vst v15;
	v4 =	vld.idx.msk [tilespmem:v13+s5+$0x0], $0xffff  }
0xa6: {  	s30 =	simm.s32 $0x0;
	s31 =	simm.s32 $0x198F0;
	[tilespmem:s29+$0x0] =	vst v8;
	v5 =	vld.idx.msk [tilespmem:v14+s5+$0x0], $0xffff  }
.LBB2_7:
0xa7: {  	v6 =	vld [tilespmem:s31+$0x0];
	s30 =	sadd.s32 $0x10, s30;
	[tilespmem:s29+$0x10] =	vst v0  }
0xa8: {  	v0 =	vld [tilespmem:s31+$0xFFFFFF20];
	p3 =	slt.u32 s30, $0xF0;
	[tilespmem:s29+$0x20] =	vst v1  }
0xa9: {  	v1 =	vld [tilespmem:s31+$0xFFFFFF30];
	[tilespmem:s29+$0x30] =	vst v2  }
0xaa: {  	v2 =	vld [tilespmem:s31+$0xFFFFFF40];
	[tilespmem:s29+$0x40] =	vst v3  }
0xab: {  	v3 =	vld [tilespmem:s31+$0xFFFFFF50];
	[tilespmem:s29+$0x50] =	vst v4  }
0xac: {  	v4 =	vld [tilespmem:s31+$0xFFFFFF60];
	[tilespmem:s29+$0x60] =	vst v5  }
0xad: {  	v5 =	vld [tilespmem:s31+$0xFFFFFF70]  }
0xae: {  	v7 =	vld [tilespmem:s31+$0xFFFFFF80]  }
0xaf: {  	v6 =	vld.idx.msk [tilespmem:v6+s5+$0x0], $0xffff  }
0xb0: {  	v8 =	vld [tilespmem:s31+$0xFFFFFF90]  }
0xb1: {  	v9 =	vld [tilespmem:s31+$0xFFFFFFA0]  }
0xb2: {  	v10 =	vld [tilespmem:s31+$0xFFFFFFB0]  }
0xb3: {  	v11 =	vld [tilespmem:s31+$0xFFFFFFC0]  }
0xb4: {  	s29 =	sadd.s32 $0x200, s29;
	v12 =	vld [tilespmem:s31+$0xFFFFFFD0]  }
0xb5: {  	v13 =	vld [tilespmem:s31+$0xFFFFFFE0];
	[tilespmem:s29+$0x70] =	vst v6  }
0xb6: {  	v6 =	vld [tilespmem:s31+$0xFFFFFFF0]  }
0xb7: {  	v14 =	vld [tilespmem:s31+$0xFFFFFF10]  }
0xb8: {  	v0 =	vld.idx.msk [tilespmem:v0+s5+$0x0], $0xffff  }
0xb9: {  	v1 =	vld.idx.msk [tilespmem:v1+s5+$0x0], $0xffff  }
0xba: {  	v2 =	vld.idx.msk [tilespmem:v2+s5+$0x0], $0xffff  }
0xbb: {  	v3 =	vld.idx.msk [tilespmem:v3+s5+$0x0], $0xffff  }
0xbc: {  	v4 =	vld.idx.msk [tilespmem:v4+s5+$0x0], $0xffff  }
0xbd: {  	v5 =	vld.idx.msk [tilespmem:v5+s5+$0x0], $0xffff  }
0xbe: {  	[tilespmem:s29+$0xFFFFFF10] =	vst v0;
	v7 =	vld.idx.msk [tilespmem:v7+s5+$0x0], $0xffff  }
0xbf: {  	v14 =	vld.idx.msk [tilespmem:v14+s5+$0x0], $0xffff;
	[tilespmem:s29+$0xFFFFFF20] =	vst v1  }
0xc0: {  	[tilespmem:s29+$0xFFFFFF30] =	vst v2;
	v8 =	vld.idx.msk [tilespmem:v8+s5+$0x0], $0xffff  }
0xc1: {  	[tilespmem:s29+$0xFFFFFF40] =	vst v3;
	v0 =	vld.idx.msk [tilespmem:v9+s5+$0x0], $0xffff  }
.Ltmp4:
0xc2: {  	[tilespmem:s29+$0xFFFFFF50] =	vst v4;
	v1 =	vld.idx.msk [tilespmem:v10+s5+$0x0], $0xffff;
	(pc) =	sbr.rel @p3 .LBB2_7-.Ltmp4, $4  }
0xc3: {  	[tilespmem:s29+$0xFFFFFF60] =	vst v5;
	v2 =	vld.idx.msk [tilespmem:v11+s5+$0x0], $0xffff  }
0xc4: {  	[tilespmem:s29+$0xFFFFFF70] =	vst v7;
	v3 =	vld.idx.msk [tilespmem:v12+s5+$0x0], $0xffff  }
0xc5: {  	[tilespmem:s29+$0xFFFFFF00] =	vst v14;
	v4 =	vld.idx.msk [tilespmem:v13+s5+$0x0], $0xffff  }
0xc6: {  	s31 =	sadd.s32 $0x100, s31;
	[tilespmem:s29+$0x0] =	vst v8;
	v5 =	vld.idx.msk [tilespmem:v6+s5+$0x0], $0xffff  }
0xc7: {  	[tilespmem:s29+$0x10] =	vst v0  }
0xc8: {  	[tilespmem:s29+$0x20] =	vst v1  }
0xc9: {  	[tilespmem:s29+$0x30] =	vst v2  }
0xca: {  	[tilespmem:s29+$0x40] =	vst v3  }
0xcb: {  	s30 =	sadd.s32 s28, s10;
	s31 =	simm.s32 $0x1C780;
	[tilespmem:s29+$0x50] =	vst v4  }
0xcc: {  	s0 =	simm.s32 $0x1C880;
	s6 =	sadd.s32 $0x0, s30;
	[tilespmem:s29+$0x60] =	vst v5;
	s29 =	simm.s32 $0x80  }
.LBB2_9:
0xcd: {  	[hbm4b:s6+s5] =	stream.linear.scatter [tilespmem:s31], [sflag:$0x5], $0x80, $0x38;
	[tilespmem:$0x1EF00] =	vst v63  }
0xce: {  	s6 =	smov.u32 s29;
	s31 =	smov.u32 s0;
	p3 =	sne.s32 s29, $0xF80  }
.Ltmp5:
0xcf: {  	s29 =	sadd.s32 $0x80, s29;
	(pc) =	sbr.rel @p3 .LBB2_9-.Ltmp5, $2  }
0xd0: {  	_ =	sdelay $0x2  }
0xd1: {  	s0 =	sadd.s32 $0x100, s0;
	s6 =	sadd.s32 s6, s30  }
0xd2: {  	[hbm4b:s6+s5] =	stream.linear.scatter [tilespmem:s31], [sflag:$0x5], $0x80, $0x38;
	[tilespmem:$0x1EF00] =	vst v63  }
0xd3: {  	_ =	swait.ge [sflag:s22], $0x1000  }
0xd4: {  	[sflag:s22] =	ssyncset.done $0x0  }
0xd5: {  	s0 =	simm.s32 $0x1A7F0;
	[sflag:s22] =	ssyncadd.s32 $0xFFFFF000  }
0xd6: {  	v0 =	vld [tilespmem:s0+$0x0]  }
0xd7: {  	v1 =	vld [tilespmem:s0+$0xFFFFFF20]  }
0xd8: {  	v2 =	vld [tilespmem:s0+$0xFFFFFF30]  }
0xd9: {  	v3 =	vld [tilespmem:s0+$0xFFFFFF40]  }
0xda: {  	v4 =	vld [tilespmem:s0+$0xFFFFFF50]  }
0xdb: {  	v5 =	vld [tilespmem:s0+$0xFFFFFF60]  }
0xdc: {  	v6 =	vld [tilespmem:s0+$0xFFFFFF70]  }
0xdd: {  	v7 =	vld [tilespmem:s0+$0xFFFFFF80]  }
0xde: {  	v8 =	vld [tilespmem:s0+$0xFFFFFF90]  }
0xdf: {  	v9 =	vld [tilespmem:s0+$0xFFFFFFA0]  }
0xe0: {  	v10 =	vld [tilespmem:s0+$0xFFFFFFB0]  }
0xe1: {  	v11 =	vld [tilespmem:s0+$0xFFFFFFC0]  }
0xe2: {  	v12 =	vld [tilespmem:s0+$0xFFFFFFD0]  }
0xe3: {  	v13 =	vld [tilespmem:s0+$0xFFFFFFE0]  }
0xe4: {  	v14 =	vld [tilespmem:s0+$0xFFFFFFF0]  }
0xe5: {  	v15 =	vld [tilespmem:s0+$0xFFFFFF10]  }
0xe6: {  	v0 =	vld.idx.msk [tilespmem:v0+s5+$0x0], $0xffff  }
0xe7: {  	v1 =	vld.idx.msk [tilespmem:v1+s5+$0x0], $0xffff  }
0xe8: {  	v2 =	vld.idx.msk [tilespmem:v2+s5+$0x0], $0xffff  }
0xe9: {  	v3 =	vld.idx.msk [tilespmem:v3+s5+$0x0], $0xffff  }
0xea: {  	v4 =	vld.idx.msk [tilespmem:v4+s5+$0x0], $0xffff  }
0xeb: {  	s29 =	simm.s32 $0x1C800;
	v5 =	vld.idx.msk [tilespmem:v5+s5+$0x0], $0xffff  }
0xec: {  	v6 =	vld.idx.msk [tilespmem:v6+s5+$0x0], $0xffff;
	[tilespmem:s29+$0x70] =	vst v0  }
0xed: {  	v7 =	vld.idx.msk [tilespmem:v7+s5+$0x0], $0xffff;
	[tilespmem:s29+$0xFFFFFF10] =	vst v1  }
0xee: {  	v15 =	vld.idx.msk [tilespmem:v15+s5+$0x0], $0xffff;
	[tilespmem:s29+$0xFFFFFF20] =	vst v2  }
0xef: {  	v8 =	vld.idx.msk [tilespmem:v8+s5+$0x0], $0xffff;
	[tilespmem:s29+$0xFFFFFF30] =	vst v3  }
0xf0: {  	[tilespmem:s29+$0xFFFFFF40] =	vst v4;
	v0 =	vld.idx.msk [tilespmem:v9+s5+$0x0], $0xffff  }
0xf1: {  	[tilespmem:s29+$0xFFFFFF50] =	vst v5;
	v1 =	vld.idx.msk [tilespmem:v10+s5+$0x0], $0xffff  }
0xf2: {  	[tilespmem:s29+$0xFFFFFF60] =	vst v6;
	v2 =	vld.idx.msk [tilespmem:v11+s5+$0x0], $0xffff  }
0xf3: {  	[tilespmem:s29+$0xFFFFFF70] =	vst v7;
	v3 =	vld.idx.msk [tilespmem:v12+s5+$0x0], $0xffff  }
0xf4: {  	[tilespmem:s29+$0xFFFFFF00] =	vst v15;
	v4 =	vld.idx.msk [tilespmem:v13+s5+$0x0], $0xffff  }
0xf5: {  	s30 =	simm.s32 $0x0;
	s31 =	simm.s32 $0x1A8F0;
	[tilespmem:s29+$0x0] =	vst v8;
	v5 =	vld.idx.msk [tilespmem:v14+s5+$0x0], $0xffff  }
.LBB2_11:
0xf6: {  	v6 =	vld [tilespmem:s31+$0x0];
	s30 =	sadd.s32 $0x10, s30;
	[tilespmem:s29+$0x10] =	vst v0  }
0xf7: {  	v0 =	vld [tilespmem:s31+$0xFFFFFF20];
	p3 =	slt.u32 s30, $0xF0;
	[tilespmem:s29+$0x20] =	vst v1  }
0xf8: {  	v1 =	vld [tilespmem:s31+$0xFFFFFF30];
	[tilespmem:s29+$0x30] =	vst v2  }
0xf9: {  	v2 =	vld [tilespmem:s31+$0xFFFFFF40];
	[tilespmem:s29+$0x40] =	vst v3  }
0xfa: {  	v3 =	vld [tilespmem:s31+$0xFFFFFF50];
	[tilespmem:s29+$0x50] =	vst v4  }
0xfb: {  	v4 =	vld [tilespmem:s31+$0xFFFFFF60];
	[tilespmem:s29+$0x60] =	vst v5  }
0xfc: {  	v5 =	vld [tilespmem:s31+$0xFFFFFF70]  }
0xfd: {  	v7 =	vld [tilespmem:s31+$0xFFFFFF80]  }
0xfe: {  	v6 =	vld.idx.msk [tilespmem:v6+s5+$0x0], $0xffff  }
0xff: {  	v8 =	vld [tilespmem:s31+$0xFFFFFF90]  }
0x100: {  	v9 =	vld [tilespmem:s31+$0xFFFFFFA0]  }
0x101: {  	v10 =	vld [tilespmem:s31+$0xFFFFFFB0]  }
0x102: {  	v11 =	vld [tilespmem:s31+$0xFFFFFFC0]  }
0x103: {  	s29 =	sadd.s32 $0x200, s29;
	v12 =	vld [tilespmem:s31+$0xFFFFFFD0]  }
0x104: {  	v13 =	vld [tilespmem:s31+$0xFFFFFFE0];
	[tilespmem:s29+$0x70] =	vst v6  }
0x105: {  	v6 =	vld [tilespmem:s31+$0xFFFFFFF0]  }
0x106: {  	v14 =	vld [tilespmem:s31+$0xFFFFFF10]  }
0x107: {  	v0 =	vld.idx.msk [tilespmem:v0+s5+$0x0], $0xffff  }
0x108: {  	v1 =	vld.idx.msk [tilespmem:v1+s5+$0x0], $0xffff  }
0x109: {  	v2 =	vld.idx.msk [tilespmem:v2+s5+$0x0], $0xffff  }
0x10a: {  	v3 =	vld.idx.msk [tilespmem:v3+s5+$0x0], $0xffff  }
0x10b: {  	v4 =	vld.idx.msk [tilespmem:v4+s5+$0x0], $0xffff  }
0x10c: {  	v5 =	vld.idx.msk [tilespmem:v5+s5+$0x0], $0xffff  }
0x10d: {  	[tilespmem:s29+$0xFFFFFF10] =	vst v0;
	v7 =	vld.idx.msk [tilespmem:v7+s5+$0x0], $0xffff  }
0x10e: {  	v14 =	vld.idx.msk [tilespmem:v14+s5+$0x0], $0xffff;
	[tilespmem:s29+$0xFFFFFF20] =	vst v1  }
0x10f: {  	[tilespmem:s29+$0xFFFFFF30] =	vst v2;
	v8 =	vld.idx.msk [tilespmem:v8+s5+$0x0], $0xffff  }
0x110: {  	[tilespmem:s29+$0xFFFFFF40] =	vst v3;
	v0 =	vld.idx.msk [tilespmem:v9+s5+$0x0], $0xffff  }
.Ltmp6:
0x111: {  	[tilespmem:s29+$0xFFFFFF50] =	vst v4;
	v1 =	vld.idx.msk [tilespmem:v10+s5+$0x0], $0xffff;
	(pc) =	sbr.rel @p3 .LBB2_11-.Ltmp6, $4  }
0x112: {  	[tilespmem:s29+$0xFFFFFF60] =	vst v5;
	v2 =	vld.idx.msk [tilespmem:v11+s5+$0x0], $0xffff  }
0x113: {  	[tilespmem:s29+$0xFFFFFF70] =	vst v7;
	v3 =	vld.idx.msk [tilespmem:v12+s5+$0x0], $0xffff  }
0x114: {  	[tilespmem:s29+$0xFFFFFF00] =	vst v14;
	v4 =	vld.idx.msk [tilespmem:v13+s5+$0x0], $0xffff  }
0x115: {  	s31 =	sadd.s32 $0x100, s31;
	[tilespmem:s29+$0x0] =	vst v8;
	v5 =	vld.idx.msk [tilespmem:v6+s5+$0x0], $0xffff  }
0x116: {  	[tilespmem:s29+$0x10] =	vst v0  }
0x117: {  	[tilespmem:s29+$0x20] =	vst v1  }
0x118: {  	[tilespmem:s29+$0x30] =	vst v2  }
0x119: {  	[tilespmem:s29+$0x40] =	vst v3  }
0x11a: {  	s30 =	sadd.s32 s28, s11;
	s31 =	simm.s32 $0x1C700;
	[tilespmem:s29+$0x50] =	vst v4  }
0x11b: {  	s0 =	simm.s32 $0x1C800;
	s6 =	sadd.s32 $0x0, s30;
	[tilespmem:s29+$0x60] =	vst v5;
	s29 =	simm.s32 $0x80  }
.LBB2_13:
0x11c: {  	[hbm4b:s6+s5] =	stream.linear.scatter [tilespmem:s31], [sflag:$0x4], $0x80, $0x38;
	[tilespmem:$0x1EF00] =	vst v63  }
0x11d: {  	s6 =	smov.u32 s29;
	s31 =	smov.u32 s0;
	p3 =	sne.s32 s29, $0xF80  }
.Ltmp7:
0x11e: {  	s29 =	sadd.s32 $0x80, s29;
	(pc) =	sbr.rel @p3 .LBB2_13-.Ltmp7, $2  }
0x11f: {  	_ =	sdelay $0x2  }
0x120: {  	s0 =	sadd.s32 $0x100, s0;
	s6 =	sadd.s32 s6, s30  }
0x121: {  	[hbm4b:s6+s5] =	stream.linear.scatter [tilespmem:s31], [sflag:$0x4], $0x80, $0x38;
	[tilespmem:$0x1EF00] =	vst v63  }
0x122: {  	_ =	swait.ge [sflag:s23], $0x1000  }
0x123: {  	[sflag:s23] =	ssyncset.done $0x0  }
0x124: {  	s0 =	simm.s32 $0x1B7F0;
	[sflag:s23] =	ssyncadd.s32 $0xFFFFF000  }
0x125: {  	v0 =	vld [tilespmem:s0+$0x0]  }
0x126: {  	v1 =	vld [tilespmem:s0+$0xFFFFFF20]  }
0x127: {  	v2 =	vld [tilespmem:s0+$0xFFFFFF30]  }
0x128: {  	v3 =	vld [tilespmem:s0+$0xFFFFFF40]  }
0x129: {  	v4 =	vld [tilespmem:s0+$0xFFFFFF50]  }
0x12a: {  	v5 =	vld [tilespmem:s0+$0xFFFFFF60]  }
0x12b: {  	v6 =	vld [tilespmem:s0+$0xFFFFFF70]  }
0x12c: {  	v7 =	vld [tilespmem:s0+$0xFFFFFF80]  }
0x12d: {  	v8 =	vld [tilespmem:s0+$0xFFFFFF90]  }
0x12e: {  	v9 =	vld [tilespmem:s0+$0xFFFFFFA0]  }
0x12f: {  	v10 =	vld [tilespmem:s0+$0xFFFFFFB0]  }
0x130: {  	v11 =	vld [tilespmem:s0+$0xFFFFFFC0]  }
0x131: {  	v12 =	vld [tilespmem:s0+$0xFFFFFFD0]  }
0x132: {  	v13 =	vld [tilespmem:s0+$0xFFFFFFE0]  }
0x133: {  	v14 =	vld [tilespmem:s0+$0xFFFFFFF0]  }
0x134: {  	v15 =	vld [tilespmem:s0+$0xFFFFFF10]  }
0x135: {  	v0 =	vld.idx.msk [tilespmem:v0+s5+$0x0], $0xffff  }
0x136: {  	v1 =	vld.idx.msk [tilespmem:v1+s5+$0x0], $0xffff  }
0x137: {  	v2 =	vld.idx.msk [tilespmem:v2+s5+$0x0], $0xffff  }
0x138: {  	v3 =	vld.idx.msk [tilespmem:v3+s5+$0x0], $0xffff  }
0x139: {  	v4 =	vld.idx.msk [tilespmem:v4+s5+$0x0], $0xffff  }
0x13a: {  	s29 =	simm.s32 $0x1C880;
	v5 =	vld.idx.msk [tilespmem:v5+s5+$0x0], $0xffff  }
0x13b: {  	v6 =	vld.idx.msk [tilespmem:v6+s5+$0x0], $0xffff;
	[tilespmem:s29+$0x70] =	vst v0  }
0x13c: {  	v7 =	vld.idx.msk [tilespmem:v7+s5+$0x0], $0xffff;
	[tilespmem:s29+$0xFFFFFF10] =	vst v1  }
0x13d: {  	v15 =	vld.idx.msk [tilespmem:v15+s5+$0x0], $0xffff;
	[tilespmem:s29+$0xFFFFFF20] =	vst v2  }
0x13e: {  	v8 =	vld.idx.msk [tilespmem:v8+s5+$0x0], $0xffff;
	[tilespmem:s29+$0xFFFFFF30] =	vst v3  }
0x13f: {  	[tilespmem:s29+$0xFFFFFF40] =	vst v4;
	v0 =	vld.idx.msk [tilespmem:v9+s5+$0x0], $0xffff  }
0x140: {  	[tilespmem:s29+$0xFFFFFF50] =	vst v5;
	v1 =	vld.idx.msk [tilespmem:v10+s5+$0x0], $0xffff  }
0x141: {  	[tilespmem:s29+$0xFFFFFF60] =	vst v6;
	v2 =	vld.idx.msk [tilespmem:v11+s5+$0x0], $0xffff  }
0x142: {  	[tilespmem:s29+$0xFFFFFF70] =	vst v7;
	v3 =	vld.idx.msk [tilespmem:v12+s5+$0x0], $0xffff  }
0x143: {  	[tilespmem:s29+$0xFFFFFF00] =	vst v15;
	v4 =	vld.idx.msk [tilespmem:v13+s5+$0x0], $0xffff  }
0x144: {  	s30 =	simm.s32 $0x0;
	s31 =	simm.s32 $0x1B8F0;
	[tilespmem:s29+$0x0] =	vst v8;
	v5 =	vld.idx.msk [tilespmem:v14+s5+$0x0], $0xffff  }
.LBB2_15:
0x145: {  	v6 =	vld [tilespmem:s31+$0x0];
	s30 =	sadd.s32 $0x10, s30;
	[tilespmem:s29+$0x10] =	vst v0  }
0x146: {  	v0 =	vld [tilespmem:s31+$0xFFFFFF20];
	p3 =	slt.u32 s30, $0xF0;
	[tilespmem:s29+$0x20] =	vst v1  }
0x147: {  	v1 =	vld [tilespmem:s31+$0xFFFFFF30];
	[tilespmem:s29+$0x30] =	vst v2  }
0x148: {  	v2 =	vld [tilespmem:s31+$0xFFFFFF40];
	[tilespmem:s29+$0x40] =	vst v3  }
0x149: {  	v3 =	vld [tilespmem:s31+$0xFFFFFF50];
	[tilespmem:s29+$0x50] =	vst v4  }
0x14a: {  	v4 =	vld [tilespmem:s31+$0xFFFFFF60];
	[tilespmem:s29+$0x60] =	vst v5  }
0x14b: {  	v5 =	vld [tilespmem:s31+$0xFFFFFF70]  }
0x14c: {  	v7 =	vld [tilespmem:s31+$0xFFFFFF80]  }
0x14d: {  	v6 =	vld.idx.msk [tilespmem:v6+s5+$0x0], $0xffff  }
0x14e: {  	v8 =	vld [tilespmem:s31+$0xFFFFFF90]  }
0x14f: {  	v9 =	vld [tilespmem:s31+$0xFFFFFFA0]  }
0x150: {  	v10 =	vld [tilespmem:s31+$0xFFFFFFB0]  }
0x151: {  	v11 =	vld [tilespmem:s31+$0xFFFFFFC0]  }
0x152: {  	s29 =	sadd.s32 $0x200, s29;
	v12 =	vld [tilespmem:s31+$0xFFFFFFD0]  }
0x153: {  	v13 =	vld [tilespmem:s31+$0xFFFFFFE0];
	[tilespmem:s29+$0x70] =	vst v6  }
0x154: {  	v6 =	vld [tilespmem:s31+$0xFFFFFFF0]  }
0x155: {  	v14 =	vld [tilespmem:s31+$0xFFFFFF10]  }
0x156: {  	v0 =	vld.idx.msk [tilespmem:v0+s5+$0x0], $0xffff  }
0x157: {  	v1 =	vld.idx.msk [tilespmem:v1+s5+$0x0], $0xffff  }
0x158: {  	v2 =	vld.idx.msk [tilespmem:v2+s5+$0x0], $0xffff  }
0x159: {  	v3 =	vld.idx.msk [tilespmem:v3+s5+$0x0], $0xffff  }
0x15a: {  	v4 =	vld.idx.msk [tilespmem:v4+s5+$0x0], $0xffff  }
0x15b: {  	v5 =	vld.idx.msk [tilespmem:v5+s5+$0x0], $0xffff  }
0x15c: {  	[tilespmem:s29+$0xFFFFFF10] =	vst v0;
	v7 =	vld.idx.msk [tilespmem:v7+s5+$0x0], $0xffff  }
0x15d: {  	v14 =	vld.idx.msk [tilespmem:v14+s5+$0x0], $0xffff;
	[tilespmem:s29+$0xFFFFFF20] =	vst v1  }
0x15e: {  	[tilespmem:s29+$0xFFFFFF30] =	vst v2;
	v8 =	vld.idx.msk [tilespmem:v8+s5+$0x0], $0xffff  }
0x15f: {  	[tilespmem:s29+$0xFFFFFF40] =	vst v3;
	v0 =	vld.idx.msk [tilespmem:v9+s5+$0x0], $0xffff  }
.Ltmp8:
0x160: {  	[tilespmem:s29+$0xFFFFFF50] =	vst v4;
	v1 =	vld.idx.msk [tilespmem:v10+s5+$0x0], $0xffff;
	(pc) =	sbr.rel @p3 .LBB2_15-.Ltmp8, $4  }
0x161: {  	[tilespmem:s29+$0xFFFFFF60] =	vst v5;
	v2 =	vld.idx.msk [tilespmem:v11+s5+$0x0], $0xffff  }
0x162: {  	[tilespmem:s29+$0xFFFFFF70] =	vst v7;
	v3 =	vld.idx.msk [tilespmem:v12+s5+$0x0], $0xffff  }
0x163: {  	[tilespmem:s29+$0xFFFFFF00] =	vst v14;
	v4 =	vld.idx.msk [tilespmem:v13+s5+$0x0], $0xffff  }
0x164: {  	s31 =	sadd.s32 $0x100, s31;
	[tilespmem:s29+$0x0] =	vst v8;
	v5 =	vld.idx.msk [tilespmem:v6+s5+$0x0], $0xffff  }
0x165: {  	[tilespmem:s29+$0x10] =	vst v0  }
0x166: {  	[tilespmem:s29+$0x20] =	vst v1  }
0x167: {  	[tilespmem:s29+$0x30] =	vst v2  }
0x168: {  	[tilespmem:s29+$0x40] =	vst v3  }
0x169: {  	s28 =	sadd.s32 s28, s12;
	s30 =	simm.s32 $0x1C780;
	[tilespmem:s29+$0x50] =	vst v4  }
0x16a: {  	s0 =	simm.s32 $0x1C880;
	s6 =	sadd.s32 $0x0, s28;
	[tilespmem:s29+$0x60] =	vst v5;
	s29 =	simm.s32 $0x80  }
.LBB2_17:
0x16b: {  	[hbm4b:s6+s5] =	stream.linear.scatter [tilespmem:s30], [sflag:$0x5], $0x80, $0x38;
	[tilespmem:$0x1EF00] =	vst v63  }
0x16c: {  	s6 =	smov.u32 s29;
	s30 =	smov.u32 s0;
	p3 =	sne.s32 s29, $0xF80  }
.Ltmp9:
0x16d: {  	s29 =	sadd.s32 $0x80, s29;
	(pc) =	sbr.rel @p3 .LBB2_17-.Ltmp9, $2  }
0x16e: {  	_ =	sdelay $0x2  }
0x16f: {  	s0 =	sadd.s32 $0x100, s0;
	s6 =	sadd.s32 s6, s28  }
0x170: {  	p3 =	seq.s32 s25, $0x19  }
.Ltmp10:
0x171: {  	_ = 	snop;
	(pc) =	sbr.rel @p3 .LBB2_20-.Ltmp10, $2  }
0x172: {  	_ =	sdelay $0x2  }
0x173: {  	[hbm4b:s6+s5] =	stream.linear.scatter [tilespmem:s30], [sflag:$0x5], $0x80, $0x38;
	[tilespmem:$0x1EF00] =	vst v63  }
0x174: {  	s0 =	smul.u32 $0x30E000, s25;
	_ =	sdelay $0x1  }
0x175: {  	s0 =	sshrl.u32 s0, $0x3  }
0x176: {  	s0 =	sadd.s32 s2, s0  }
0x177: {  	s0 =	sadd.s32 s7, s0  }
0x178: {  	s0 =	sadd.s32 $0x61C00, s0  }
0x179: {  	[tilespmem:s5], [sflag:$0x1] =	stream.strided.gather [hbm4b:s0+s16], $0x18700, s17, s16, $0x38;
	[tilespmem:$0x1EF00] =	vst v63  }
0x17a: {  	s0 =	simm.s32 @p2 $0x3  }
.Ltmp11:
0x17b: {  	_ =	swait.ge @p2 [sflag:s0], $0x800;
	(pc) =	sbr.rel .LBB2_2-.Ltmp11, $4  }
0x17c: {  	[sflag:s0] =	ssyncset.done @p2 $0x0  }
0x17d: {  	s31 =	sxor.u32 $0x80, s26;
	[sflag:s0] =	ssyncadd.s32 @p2 $0xFFFFF800  }
0x17e: {  	s25 =	sadd.s32 $0x1, s25;
	s0 =	sadd.s32 s31, s4;
	[bflag:$0x0] =	sbarrier.arrive $0xFFFF  }
0x17f: {  	[tilespmem:s19], [sflag:$0x2] =	stream.strided.gather [spmem:s0], $0x4000, s18, s16, $0x38;
	[tilespmem:$0x1EF00] =	vst v63  }
.LBB2_21:
0x180: {  	_ =	sfence.sel $0x180000  }
0x181: {  	[bflag:$0x0] =	sbarrier.arrive $0xFFFF  }
0x182: {  	_ =	strace $0x90000047  }
0x183: {  	[bflag:$0x2] =	sbarrier.arrive $0xFFFF  }
0x184: {  	s0 =	rddreg [dreg:$0x4]  }
0x185: {  	s0 =	sadd.s32 @!p0 $0x100000, s0  }
0x186: {  	[sflag:s0] =	ssyncadd.tile.s32 @!p0 $0x1;
	_ =	shalt  }
.Lfunc_end2:
_tile_overlayer_lowered:
.L_overlay_start_2:
0x187: {  	(tag) =	ssettag $0x2  }
0x188: {  	s0 =	rddreg [dreg:$0x0];
	s2 =	stileid.u32  }
0x189: {  	s1 =	rddreg [dreg:$0x1];
	p0 =	sne.s32 s2, $0x0  }
0x18a: {  	s3 =	rddreg [dreg:$0x2];
	[bflag:$0x3] =	sbarrier.arrive $0xFFFF;
	s2 =	simm.s32 @!p0 $0x1C06  }
0x18b: {  	[timem:s3], [sflag:s2] =	dma.local @!p0 [hbm:s0], s1  }
0x18c: {  	s0 =	simm.s32 @!p0 $0x6  }
0x18d: {  	_ =	swait.ge @!p0 [sflag:s0], s1  }
0x18e: {  	s1 =	ssub.s32 @!p0 $0x0, s1;
	[sflag:s0] =	ssyncset.done @!p0 $0x0  }
0x18f: {  	[sflag:s0] =	ssyncadd.s32 @!p0 s1  }
0x190: {  	[bflag:$0x3] =	sbarrier.arrive $0xFFFF  }
0x191: {  	_ =	shalt  }

</sc_bundles>
